<compile_context>
chip_gen: v7x
topology: tpu7x:2x2x1
jax: 0.10.2.dev20260603
libtpu: 0.0.44.dev20260713+nightly
codegen_flags: <defaults>
</compile_context>

<pallas_src>
import functools

import jax
import jax.numpy as jnp
from jax import lax
from jax.experimental import pallas as pl
from jax.experimental.pallas import tpu as pltpu
from jax.experimental.pallas import tpu_sc as plsc

VOCAB = 100000
D_MODEL = 64
BATCH = 1024
HIST = 200

_NC = 2
_NS = 16
_NW = _NC * _NS
_BPW = BATCH // _NW
_CHUNKS = ((0, 104), (104, 96))


def _emb_pool_body(ids_hbm, table_hbm, out_hbm, idx_v, rows_v, acc_v,
                   sem0, sem1):
    wid = lax.axis_index("s") * _NC + lax.axis_index("c")
    base = wid * _BPW
    pltpu.sync_copy(
        ids_hbm.at[pl.ds(pl.multiple_of(base * HIST, 8), _BPW * HIST)], idx_v
    )

    def gather(i, buf, sem):
        i = jnp.minimum(i, _BPW - 1)
        row0 = pl.multiple_of(i * HIST, 8)
        for off, n in _CHUNKS:
            pltpu.async_copy(
                table_hbm.at[idx_v.at[pl.ds(row0 + off, n)]],
                rows_v.at[buf, pl.ds(off, n)],
                sem,
            )

    def wait(buf, sem):
        for off, n in _CHUNKS:
            pltpu.make_async_copy(
                table_hbm.at[idx_v.at[pl.ds(off, n)]],
                rows_v.at[buf, pl.ds(off, n)],
                sem,
            ).wait()

    def reduce_into(i, buf):
        def term(t, accs):
            r = 2 * t
            a = tuple(
                accs[c] + rows_v[buf, r, pl.ds(c * 16, 16)] for c in range(4)
            )
            return tuple(
                a[c] + rows_v[buf, r + 1, pl.ds(c * 16, 16)] for c in range(4)
            )

        zero = jnp.zeros((16,), jnp.float32)
        accs = lax.fori_loop(0, HIST // 2, term, (zero,) * 4)
        scale = jnp.float32(1.0 / HIST)
        for c in range(4):
            acc_v[i, pl.ds(c * 16, 16)] = accs[c] * scale

    gather(0, 0, sem0)

    def pair(g, _):
        gather(g + 1, 1, sem1)
        wait(0, sem0)
        reduce_into(g, 0)
        gather(g + 2, 0, sem0)
        wait(1, sem1)
        reduce_into(g + 1, 1)
        return 0

    lax.fori_loop(0, _BPW // 2, lambda g, c: pair(2 * g, c), 0)
    wait(0, sem0)
    pltpu.sync_copy(acc_v, out_hbm.at[pl.ds(base, _BPW)])


@functools.cache
def _emb_pool_kernel():
    return functools.partial(
        pl.kernel,
        out_type=jax.ShapeDtypeStruct((BATCH, D_MODEL), jnp.float32),
        mesh=plsc.VectorSubcoreMesh(core_axis_name="c", subcore_axis_name="s"),
        scratch_types=[
            pltpu.VMEM((_BPW * HIST,), jnp.int32),
            pltpu.VMEM((2, HIST, D_MODEL), jnp.float32),
            pltpu.VMEM((_BPW, D_MODEL), jnp.float32),
            pltpu.SemaphoreType.DMA,
            pltpu.SemaphoreType.DMA,
        ],
        compiler_params=pltpu.CompilerParams(use_tc_tiling_on_sc=False),
    )(_emb_pool_body)


_VT = 1024
_NT = -(-VOCAB // _VT)


def _logits_loss_body(xt_ref, w_ref, b_ref, lab_ref, logits_ref, loss_ref,
                      m_scr, s_scr, ll_scr):
    j = pl.program_id(0)

    @pl.when(j == 0)
    def _init():
        m_scr[...] = jnp.full((1, BATCH), -jnp.inf, jnp.float32)
        s_scr[...] = jnp.zeros((1, BATCH), jnp.float32)
        ll_scr[...] = jnp.zeros((1, BATCH), jnp.float32)
        loss_ref[...] = jnp.zeros((1, 1), jnp.float32)

    logits = (
        lax.dot_general(
            w_ref[...], xt_ref[...], (((0,), (0,)), ((), ())),
            preferred_element_type=jnp.float32,
        )
        + b_ref[...]
    )
    logits_ref[...] = logits

    row = j * _VT + lax.broadcasted_iota(jnp.int32, (_VT, 1), 0)
    lm = jnp.where(row < VOCAB, logits, -jnp.inf)

    tmax = jnp.max(lm, axis=0, keepdims=True)
    m_new = jnp.maximum(m_scr[...], tmax)
    s_scr[...] = s_scr[...] * jnp.exp(m_scr[...] - m_new) + jnp.sum(
        jnp.exp(lm - m_new), axis=0, keepdims=True
    )
    m_scr[...] = m_new
    ll_scr[...] += jnp.sum(
        jnp.where(row == lab_ref[...], lm, 0.0), axis=0, keepdims=True
    )

    @pl.when(j == _NT - 1)
    def _fin():
        per_col = m_scr[...] + jnp.log(s_scr[...]) - ll_scr[...]
        loss_ref[...] = (jnp.sum(per_col) / jnp.float32(BATCH)).reshape(1, 1)


def _logits_loss(xt, w, b2, lab2):
    return pl.pallas_call(
        _logits_loss_body,
        grid=(_NT,),
        in_specs=[
            pl.BlockSpec((D_MODEL, BATCH), lambda j: (0, 0)),
            pl.BlockSpec((D_MODEL, _VT), lambda j: (0, j)),
            pl.BlockSpec((_VT, 1), lambda j: (j, 0)),
            pl.BlockSpec((1, BATCH), lambda j: (0, 0)),
        ],
        out_specs=[
            pl.BlockSpec((_VT, BATCH), lambda j: (j, 0)),
            pl.BlockSpec((1, 1), lambda j: (0, 0)),
        ],
        out_shape=[
            jax.ShapeDtypeStruct((VOCAB, BATCH), jnp.float32),
            jax.ShapeDtypeStruct((1, 1), jnp.float32),
        ],
        scratch_shapes=[
            pltpu.VMEM((1, BATCH), jnp.float32),
            pltpu.VMEM((1, BATCH), jnp.float32),
            pltpu.VMEM((1, BATCH), jnp.float32),
        ],
        compiler_params=pltpu.CompilerParams(
            dimension_semantics=("arbitrary",),
        ),
    )(xt, w, b2, lab2)


def kernel(input_ids, labels, emb_table, W, b):
    ids = input_ids.astype(jnp.int32).reshape(BATCH * HIST)
    x = _emb_pool_kernel()(ids, emb_table)
    logits_t, loss = _logits_loss(
        x.T, W, b.reshape(VOCAB, 1), labels.astype(jnp.int32).reshape(1, BATCH)
    )
    return (loss[0, 0], logits_t.T)

# --- scband reference (transcript-rebuilt; emitter-appended) ---
"""Pipeline reference for scband-simple-model-34102040330333 (READ-ONLY COPY).

The authoritative reference and input builder live on the scoring server;
editing this copy changes nothing except your own understanding.
"""

import jax, jax.numpy as jnp
import numpy as np

VOCAB = 100000
D_MODEL = 64
BATCH = 1024
HIST = 200

def setup_inputs(seed: int = 0) -> dict:
    key = jax.random.key(seed)
    k1, k2, k3, k4 = jax.random.split(key, 4)
    input_ids = jax.random.randint(k1, (BATCH, HIST), 0, VOCAB, dtype=jnp.int64 if jax.config.jax_enable_x64 else jnp.int32)
    labels = jax.random.randint(k2, (BATCH,), 0, VOCAB, dtype=jnp.int64 if jax.config.jax_enable_x64 else jnp.int32)
    emb_table = jax.random.normal(k3, (VOCAB, D_MODEL), dtype=jnp.float32)
    W = jax.random.normal(k4, (D_MODEL, VOCAB), dtype=jnp.float32) * 0.02
    b = jnp.zeros((VOCAB,), dtype=jnp.float32)
    return {"input_ids": input_ids, "labels": labels, "emb_table": emb_table, "W": W, "b": b}

def reference(input_ids, labels, emb_table, W, b):
    # nn.Embedding lookup -> gather
    x = jnp.take(emb_table, input_ids, axis=0)          # [B, L, d]
    x = jnp.mean(x, axis=1)                              # [B, d]
    logits = x @ W + b                                   # [B, V]
    # CrossEntropyLoss (mean reduction)
    lse = jax.scipy.special.logsumexp(logits, axis=-1)   # [B]
    ll = jnp.take_along_axis(logits, labels[:, None], axis=-1)[:, 0]
    loss = jnp.mean(lse - ll)
    return (loss, logits)

if __name__ == "__main__":
    import jax
    _d = setup_inputs()
    print(jax.jit(kernel)(*tuple(_d.values())))

</pallas_src>

<mosaic_0001>
#map = affine_map<(d0, d1) -> (0)>
#map1 = affine_map<(d0, d1) -> (0, 0)>
module attributes {stable_mosaic.version = 14 : i64} {
  func.func @_emb_pool_body(%arg0: i32, %arg1: i32, %arg2: memref<204800xi32, #tpu.memory_space<hbm>>, %arg3: memref<100000x64xf32, #tpu.memory_space<hbm>>, %arg4: memref<1024x64xf32, #tpu.memory_space<hbm>>, %arg5: memref<6400xi32, #tpu.memory_space<vmem>>, %arg6: memref<2x200x64xf32, #tpu.memory_space<vmem>>, %arg7: memref<32x64xf32, #tpu.memory_space<vmem>>, %arg8: memref<!tpu.dma_semaphore, #tpu.memory_space<semaphore_mem>>, %arg9: memref<!tpu.dma_semaphore, #tpu.memory_space<semaphore_mem>>) attributes {dimension_semantics = [#tpu.dimension_semantics<core_parallel>, #tpu.dimension_semantics<subcore_parallel>], iteration_bounds = array<i64: 2, 16>, scalar_prefetch = 0 : i64, scratch_operands = 5 : i64, tpu.core_type = #tpu.core_type<sc_vector_subcore>, window_params = [{transform_indices = #map}, {transform_indices = #map1}, {transform_indices = #map1}]} {
    %mul3A = arith.constant 2 : i32
    %mul3A_0 = arith.muli %arg1, %mul3A : i32
    %add3A = arith.addi %mul3A_0, %arg0 : i32
    %mul3A_1 = arith.constant 32 : i32
    %mul3A_2 = arith.muli %add3A, %mul3A_1 : i32
    %mul3A_3 = arith.constant 200 : i32
    %mul3A_4 = arith.muli %mul3A_2, %mul3A_3 : i32
    %multiple_of3A = tpu.assume_multiple %mul3A_4, 8 : i32
    "tpu.region"() ({
      %run_scoped3A = tpu.sem_alloc : memref<!tpu.dma_semaphore, #tpu.memory_space<semaphore_mem>>
      %dma_start3A_56 = tpu.memref_slice %arg2[%multiple_of3A] : memref<204800xi32, #tpu.memory_space<hbm>> -> memref<6400xi32, #tpu.memory_space<hbm>>
      %dma_start3A_57 = tpu.memref_slice %arg2[%multiple_of3A] : memref<204800xi32, #tpu.memory_space<hbm>> -> memref<6400xi32, #tpu.memory_space<hbm>>
      tpu.enqueue_dma source(%dma_start3A_57 : memref<6400xi32, #tpu.memory_space<hbm>>) target(%arg5 : memref<6400xi32, #tpu.memory_space<vmem>>) target_semaphore(%run_scoped3A : memref<!tpu.dma_semaphore, #tpu.memory_space<semaphore_mem>>)
      %dma_wait3A_58 = tpu.memref_slice %arg2[%multiple_of3A] : memref<204800xi32, #tpu.memory_space<hbm>> -> memref<6400xi32, #tpu.memory_space<hbm>>
      %dma_wait3A_59 = tpu.memref_slice %arg2[%multiple_of3A] : memref<204800xi32, #tpu.memory_space<hbm>> -> memref<6400xi32, #tpu.memory_space<hbm>>
      tpu.wait_dma2 semaphore(%run_scoped3A : memref<!tpu.dma_semaphore, #tpu.memory_space<semaphore_mem>>) src(%dma_wait3A_59 : memref<6400xi32, #tpu.memory_space<hbm>>) dst(%arg5 : memref<6400xi32, #tpu.memory_space<vmem>>)
      tpu.yield
    }) : () -> ()
    %min3A = arith.constant 0 : i32
    %min3A_5 = arith.constant 31 : i32
    %min3A_6 = arith.minsi %min3A, %min3A_5 : i32
    %mul3A_7 = arith.constant 200 : i32
    %mul3A_8 = arith.muli %min3A_6, %mul3A_7 : i32
    %multiple_of3A_9 = tpu.assume_multiple %mul3A_8, 8 : i32
    %add3A_10 = arith.constant 0 : i32
    %add3A_11 = arith.addi %multiple_of3A_9, %add3A_10 : i32
    %dma_start3A = arith.constant 0 : i32
    %dma_start3A_12 = arith.constant 0 : i32
    %dma_start3A_13 = arith.constant 0 : i32
    %dma_start3A_14 = tpu.memref_slice %arg6[%dma_start3A, %dma_start3A_12, %dma_start3A_13] : memref<2x200x64xf32, #tpu.memory_space<vmem>> -> memref<1x104x64xf32, #tpu.memory_space<vmem>>
    %dma_start3A_15 = tpu.memref_squeeze %dma_start3A_14 : memref<1x104x64xf32, #tpu.memory_space<vmem>> -> memref<104x64xf32, #tpu.memory_space<vmem>>
    %dma_start3A_16 = tpu.memref_slice %arg5[%add3A_11] : memref<6400xi32, #tpu.memory_space<vmem>> -> memref<104xi32, #tpu.memory_space<vmem>>
    %dma_start3A_17 = arith.constant 0 : i32
    %dma_start3A_18 = arith.constant 0 : i32
    %dma_start3A_19 = tpu.memref_slice %arg3[%dma_start3A_17, %dma_start3A_18] : memref<100000x64xf32, #tpu.memory_space<hbm>> -> memref<100000x64xf32, #tpu.memory_space<hbm>>
    tpu.enqueue_indirect_dma source(%dma_start3A_19 : memref<100000x64xf32, #tpu.memory_space<hbm>>) target(%dma_start3A_15 : memref<104x64xf32, #tpu.memory_space<vmem>>) offsets(%dma_start3A_16 : memref<104xi32, #tpu.memory_space<vmem>>) semaphore(%arg8 : memref<!tpu.dma_semaphore, #tpu.memory_space<semaphore_mem>>)
    %add3A_20 = arith.constant 104 : i32
    %add3A_21 = arith.addi %multiple_of3A_9, %add3A_20 : i32
    %dma_start3A_22 = arith.constant 0 : i32
    %dma_start3A_23 = arith.constant 104 : i32
    %dma_start3A_24 = arith.constant 0 : i32
    %dma_start3A_25 = tpu.memref_slice %arg6[%dma_start3A_22, %dma_start3A_23, %dma_start3A_24] : memref<2x200x64xf32, #tpu.memory_space<vmem>> -> memref<1x96x64xf32, #tpu.memory_space<vmem>>
    %dma_start3A_26 = tpu.memref_squeeze %dma_start3A_25 : memref<1x96x64xf32, #tpu.memory_space<vmem>> -> memref<96x64xf32, #tpu.memory_space<vmem>>
    %dma_start3A_27 = tpu.memref_slice %arg5[%add3A_21] : memref<6400xi32, #tpu.memory_space<vmem>> -> memref<96xi32, #tpu.memory_space<vmem>>
    %dma_start3A_28 = arith.constant 0 : i32
    %dma_start3A_29 = arith.constant 0 : i32
    %dma_start3A_30 = tpu.memref_slice %arg3[%dma_start3A_28, %dma_start3A_29] : memref<100000x64xf32, #tpu.memory_space<hbm>> -> memref<100000x64xf32, #tpu.memory_space<hbm>>
    tpu.enqueue_indirect_dma source(%dma_start3A_30 : memref<100000x64xf32, #tpu.memory_space<hbm>>) target(%dma_start3A_26 : memref<96x64xf32, #tpu.memory_space<vmem>>) offsets(%dma_start3A_27 : memref<96xi32, #tpu.memory_space<vmem>>) semaphore(%arg8 : memref<!tpu.dma_semaphore, #tpu.memory_space<semaphore_mem>>)
    %scan3A = arith.constant 0 : i32
    %scan3A_31 = arith.constant 0 : i32
    %scan3A_32 = arith.constant 16 : i32
    %scan3A_33 = arith.addi %scan3A_31, %scan3A_32 : i32
    %scan3A_34 = arith.constant 1 : i32
    %scan3A_35 = scf.for %scan3A_56 = %scan3A_31 to %scan3A_33 step %scan3A_34 iter_args(%scan3A_57 = %scan3A) -> (i32)  : i32 {
      %mul3A_58 = arith.constant 2 : i32
      %mul3A_59 = arith.muli %mul3A_58, %scan3A_56 : i32
      %add3A_60 = arith.constant 1 : i32
      %add3A_61 = arith.addi %mul3A_59, %add3A_60 : i32
      %min3A_62 = arith.constant 31 : i32
      %min3A_63 = arith.minsi %add3A_61, %min3A_62 : i32
      %mul3A_64 = arith.constant 200 : i32
      %mul3A_65 = arith.muli %min3A_63, %mul3A_64 : i32
      %multiple_of3A_66 = tpu.assume_multiple %mul3A_65, 8 : i32
      %add3A_67 = arith.constant 0 : i32
      %add3A_68 = arith.addi %multiple_of3A_66, %add3A_67 : i32
      %dma_start3A_69 = arith.constant 1 : i32
      %dma_start3A_70 = arith.constant 0 : i32
      %dma_start3A_71 = arith.constant 0 : i32
      %dma_start3A_72 = tpu.memref_slice %arg6[%dma_start3A_69, %dma_start3A_70, %dma_start3A_71] : memref<2x200x64xf32, #tpu.memory_space<vmem>> -> memref<1x104x64xf32, #tpu.memory_space<vmem>>
      %dma_start3A_73 = tpu.memref_squeeze %dma_start3A_72 : memref<1x104x64xf32, #tpu.memory_space<vmem>> -> memref<104x64xf32, #tpu.memory_space<vmem>>
      %dma_start3A_74 = tpu.memref_slice %arg5[%add3A_68] : memref<6400xi32, #tpu.memory_space<vmem>> -> memref<104xi32, #tpu.memory_space<vmem>>
      %dma_start3A_75 = arith.constant 0 : i32
      %dma_start3A_76 = arith.constant 0 : i32
      %dma_start3A_77 = tpu.memref_slice %arg3[%dma_start3A_75, %dma_start3A_76] : memref<100000x64xf32, #tpu.memory_space<hbm>> -> memref<100000x64xf32, #tpu.memory_space<hbm>>
      tpu.enqueue_indirect_dma source(%dma_start3A_77 : memref<100000x64xf32, #tpu.memory_space<hbm>>) target(%dma_start3A_73 : memref<104x64xf32, #tpu.memory_space<vmem>>) offsets(%dma_start3A_74 : memref<104xi32, #tpu.memory_space<vmem>>) semaphore(%arg9 : memref<!tpu.dma_semaphore, #tpu.memory_space<semaphore_mem>>)
      %add3A_78 = arith.constant 104 : i32
      %add3A_79 = arith.addi %multiple_of3A_66, %add3A_78 : i32
      %dma_start3A_80 = arith.constant 1 : i32
      %dma_start3A_81 = arith.constant 104 : i32
      %dma_start3A_82 = arith.constant 0 : i32
      %dma_start3A_83 = tpu.memref_slice %arg6[%dma_start3A_80, %dma_start3A_81, %dma_start3A_82] : memref<2x200x64xf32, #tpu.memory_space<vmem>> -> memref<1x96x64xf32, #tpu.memory_space<vmem>>
      %dma_start3A_84 = tpu.memref_squeeze %dma_start3A_83 : memref<1x96x64xf32, #tpu.memory_space<vmem>> -> memref<96x64xf32, #tpu.memory_space<vmem>>
      %dma_start3A_85 = tpu.memref_slice %arg5[%add3A_79] : memref<6400xi32, #tpu.memory_space<vmem>> -> memref<96xi32, #tpu.memory_space<vmem>>
      %dma_start3A_86 = arith.constant 0 : i32
      %dma_start3A_87 = arith.constant 0 : i32
      %dma_start3A_88 = tpu.memref_slice %arg3[%dma_start3A_86, %dma_start3A_87] : memref<100000x64xf32, #tpu.memory_space<hbm>> -> memref<100000x64xf32, #tpu.memory_space<hbm>>
      tpu.enqueue_indirect_dma source(%dma_start3A_88 : memref<100000x64xf32, #tpu.memory_space<hbm>>) target(%dma_start3A_84 : memref<96x64xf32, #tpu.memory_space<vmem>>) offsets(%dma_start3A_85 : memref<96xi32, #tpu.memory_space<vmem>>) semaphore(%arg9 : memref<!tpu.dma_semaphore, #tpu.memory_space<semaphore_mem>>)
      %dma_wait3A_89 = arith.constant 0 : i32
      %dma_wait3A_90 = arith.constant 0 : i32
      %dma_wait3A_91 = arith.constant 0 : i32
      %dma_wait3A_92 = tpu.memref_slice %arg6[%dma_wait3A_89, %dma_wait3A_90, %dma_wait3A_91] : memref<2x200x64xf32, #tpu.memory_space<vmem>> -> memref<1x104x64xf32, #tpu.memory_space<vmem>>
      %dma_wait3A_93 = tpu.memref_squeeze %dma_wait3A_92 : memref<1x104x64xf32, #tpu.memory_space<vmem>> -> memref<104x64xf32, #tpu.memory_space<vmem>>
      %dma_wait3A_94 = arith.constant 0 : i32
      %dma_wait3A_95 = tpu.memref_slice %arg5[%dma_wait3A_94] : memref<6400xi32, #tpu.memory_space<vmem>> -> memref<104xi32, #tpu.memory_space<vmem>>
      %dma_wait3A_96 = arith.constant 0 : i32
      %dma_wait3A_97 = arith.constant 0 : i32
      %dma_wait3A_98 = tpu.memref_slice %arg3[%dma_wait3A_96, %dma_wait3A_97] : memref<100000x64xf32, #tpu.memory_space<hbm>> -> memref<100000x64xf32, #tpu.memory_space<hbm>>
      tpu.wait_indirect_dma semaphore(%arg8 : memref<!tpu.dma_semaphore, #tpu.memory_space<semaphore_mem>>) src(%dma_wait3A_98 : memref<100000x64xf32, #tpu.memory_space<hbm>>) dst(%dma_wait3A_93 : memref<104x64xf32, #tpu.memory_space<vmem>>)
      %dma_wait3A_99 = arith.constant 0 : i32
      %dma_wait3A_100 = arith.constant 104 : i32
      %dma_wait3A_101 = arith.constant 0 : i32
      %dma_wait3A_102 = tpu.memref_slice %arg6[%dma_wait3A_99, %dma_wait3A_100, %dma_wait3A_101] : memref<2x200x64xf32, #tpu.memory_space<vmem>> -> memref<1x96x64xf32, #tpu.memory_space<vmem>>
      %dma_wait3A_103 = tpu.memref_squeeze %dma_wait3A_102 : memref<1x96x64xf32, #tpu.memory_space<vmem>> -> memref<96x64xf32, #tpu.memory_space<vmem>>
      %dma_wait3A_104 = arith.constant 104 : i32
      %dma_wait3A_105 = tpu.memref_slice %arg5[%dma_wait3A_104] : memref<6400xi32, #tpu.memory_space<vmem>> -> memref<96xi32, #tpu.memory_space<vmem>>
      %dma_wait3A_106 = arith.constant 0 : i32
      %dma_wait3A_107 = arith.constant 0 : i32
      %dma_wait3A_108 = tpu.memref_slice %arg3[%dma_wait3A_106, %dma_wait3A_107] : memref<100000x64xf32, #tpu.memory_space<hbm>> -> memref<100000x64xf32, #tpu.memory_space<hbm>>
      tpu.wait_indirect_dma semaphore(%arg8 : memref<!tpu.dma_semaphore, #tpu.memory_space<semaphore_mem>>) src(%dma_wait3A_108 : memref<100000x64xf32, #tpu.memory_space<hbm>>) dst(%dma_wait3A_103 : memref<96x64xf32, #tpu.memory_space<vmem>>)
      %broadcast_in_dim3A = arith.constant 0.000000e+00 : f32
      %broadcast_in_dim3A_109 = vector.broadcast %broadcast_in_dim3A : f32 to vector<16xf32>
      %scan3A_110 = arith.constant 0 : i32
      %scan3A_111 = arith.constant 100 : i32
      %scan3A_112 = arith.addi %scan3A_110, %scan3A_111 : i32
      %scan3A_113 = arith.constant 1 : i32
      %scan3A_114:4 = scf.for %scan3A_239 = %scan3A_110 to %scan3A_112 step %scan3A_113 iter_args(%scan3A_240 = %broadcast_in_dim3A_109, %scan3A_241 = %broadcast_in_dim3A_109, %scan3A_242 = %broadcast_in_dim3A_109, %scan3A_243 = %broadcast_in_dim3A_109) -> (vector<16xf32>, vector<16xf32>, vector<16xf32>, vector<16xf32>)  : i32 {
        %mul3A_244 = arith.constant 2 : i32
        %mul3A_245 = arith.muli %mul3A_244, %scan3A_239 : i32
        %get3A = arith.constant 0 : i32
        %get3A_246 = arith.index_cast %get3A : i32 to index
        %get3A_247 = arith.index_cast %mul3A_245 : i32 to index
        %get3A_248 = arith.constant 0 : index
        %get3A_249 = tpu.vector_load %arg6[%get3A_246, %get3A_247, %get3A_248] {strides = array<i32>} : memref<2x200x64xf32, #tpu.memory_space<vmem>>, vector<1x1x16xf32>,
        %get3A_250 = vector.shape_cast %get3A_249 : vector<1x1x16xf32> to vector<16xf32>
        %add3A_251 = arith.addf %scan3A_240, %get3A_250 : vector<16xf32>
        %get3A_252 = arith.constant 0 : i32
        %get3A_253 = arith.index_cast %get3A_252 : i32 to index
        %get3A_254 = arith.index_cast %mul3A_245 : i32 to index
        %get3A_255 = arith.constant 16 : index
        %get3A_256 = tpu.vector_load %arg6[%get3A_253, %get3A_254, %get3A_255] {strides = array<i32>} : memref<2x200x64xf32, #tpu.memory_space<vmem>>, vector<1x1x16xf32>,
        %get3A_257 = vector.shape_cast %get3A_256 : vector<1x1x16xf32> to vector<16xf32>
        %add3A_258 = arith.addf %scan3A_241, %get3A_257 : vector<16xf32>
        %get3A_259 = arith.constant 0 : i32
        %get3A_260 = arith.index_cast %get3A_259 : i32 to index
        %get3A_261 = arith.index_cast %mul3A_245 : i32 to index
        %get3A_262 = arith.constant 32 : index
        %get3A_263 = tpu.vector_load %arg6[%get3A_260, %get3A_261, %get3A_262] {strides = array<i32>} : memref<2x200x64xf32, #tpu.memory_space<vmem>>, vector<1x1x16xf32>,
        %get3A_264 = vector.shape_cast %get3A_263 : vector<1x1x16xf32> to vector<16xf32>
        %add3A_265 = arith.addf %scan3A_242, %get3A_264 : vector<16xf32>
        %get3A_266 = arith.constant 0 : i32
        %get3A_267 = arith.index_cast %get3A_266 : i32 to index
        %get3A_268 = arith.index_cast %mul3A_245 : i32 to index
        %get3A_269 = arith.constant 48 : index
        %get3A_270 = tpu.vector_load %arg6[%get3A_267, %get3A_268, %get3A_269] {strides = array<i32>} : memref<2x200x64xf32, #tpu.memory_space<vmem>>, vector<1x1x16xf32>,
        %get3A_271 = vector.shape_cast %get3A_270 : vector<1x1x16xf32> to vector<16xf32>
        %add3A_272 = arith.addf %scan3A_243, %get3A_271 : vector<16xf32>
        %add3A_273 = arith.constant 1 : i32
        %add3A_274 = arith.addi %mul3A_245, %add3A_273 : i32
        %get3A_275 = arith.constant 0 : i32
        %get3A_276 = arith.index_cast %get3A_275 : i32 to index
        %get3A_277 = arith.index_cast %add3A_274 : i32 to index
        %get3A_278 = arith.constant 0 : index
        %get3A_279 = tpu.vector_load %arg6[%get3A_276, %get3A_277, %get3A_278] {strides = array<i32>} : memref<2x200x64xf32, #tpu.memory_space<vmem>>, vector<1x1x16xf32>,
        %get3A_280 = vector.shape_cast %get3A_279 : vector<1x1x16xf32> to vector<16xf32>
        %add3A_281 = arith.addf %add3A_251, %get3A_280 : vector<16xf32>
        %add3A_282 = arith.constant 1 : i32
        %add3A_283 = arith.addi %mul3A_245, %add3A_282 : i32
        %get3A_284 = arith.constant 0 : i32
        %get3A_285 = arith.index_cast %get3A_284 : i32 to index
        %get3A_286 = arith.index_cast %add3A_283 : i32 to index
        %get3A_287 = arith.constant 16 : index
        %get3A_288 = tpu.vector_load %arg6[%get3A_285, %get3A_286, %get3A_287] {strides = array<i32>} : memref<2x200x64xf32, #tpu.memory_space<vmem>>, vector<1x1x16xf32>,
        %get3A_289 = vector.shape_cast %get3A_288 : vector<1x1x16xf32> to vector<16xf32>
        %add3A_290 = arith.addf %add3A_258, %get3A_289 : vector<16xf32>
        %add3A_291 = arith.constant 1 : i32
        %add3A_292 = arith.addi %mul3A_245, %add3A_291 : i32
        %get3A_293 = arith.constant 0 : i32
        %get3A_294 = arith.index_cast %get3A_293 : i32 to index
        %get3A_295 = arith.index_cast %add3A_292 : i32 to index
        %get3A_296 = arith.constant 32 : index
        %get3A_297 = tpu.vector_load %arg6[%get3A_294, %get3A_295, %get3A_296] {strides = array<i32>} : memref<2x200x64xf32, #tpu.memory_space<vmem>>, vector<1x1x16xf32>,
        %get3A_298 = vector.shape_cast %get3A_297 : vector<1x1x16xf32> to vector<16xf32>
        %add3A_299 = arith.addf %add3A_265, %get3A_298 : vector<16xf32>
        %add3A_300 = arith.constant 1 : i32
        %add3A_301 = arith.addi %mul3A_245, %add3A_300 : i32
        %get3A_302 = arith.constant 0 : i32
        %get3A_303 = arith.index_cast %get3A_302 : i32 to index
        %get3A_304 = arith.index_cast %add3A_301 : i32 to index
        %get3A_305 = arith.constant 48 : index
        %get3A_306 = tpu.vector_load %arg6[%get3A_303, %get3A_304, %get3A_305] {strides = array<i32>} : memref<2x200x64xf32, #tpu.memory_space<vmem>>, vector<1x1x16xf32>,
        %get3A_307 = vector.shape_cast %get3A_306 : vector<1x1x16xf32> to vector<16xf32>
        %add3A_308 = arith.addf %add3A_272, %get3A_307 : vector<16xf32>
        scf.yield %add3A_281, %add3A_290, %add3A_299, %add3A_308 : vector<16xf32>, vector<16xf32>, vector<16xf32>, vector<16xf32>
      }
      %scan3A_115 = arith.constant 100 : i32
      %mul3A_116 = arith.constant 5.000000e-03 : f32
      %mul3A_117 = vector.broadcast %mul3A_116 : f32 to vector<16xf32>
      %mul3A_118 = arith.mulf %scan3A_114#0, %mul3A_117 : vector<16xf32>
      %swap3A = arith.index_cast %mul3A_59 : i32 to index
      %swap3A_119 = arith.constant 0 : index
      %swap3A_120 = tpu.vector_load %arg7[%swap3A, %swap3A_119] {strides = array<i32>} : memref<32x64xf32, #tpu.memory_space<vmem>>, vector<1x16xf32>,
      %swap3A_121 = vector.shape_cast %swap3A_120 : vector<1x16xf32> to vector<16xf32>
      %swap3A_122 = vector.shape_cast %mul3A_118 : vector<16xf32> to vector<1x16xf32>
      tpu.vector_store %arg7[%swap3A, %swap3A_119], %swap3A_122 {strides = array<i32>} : memref<32x64xf32, #tpu.memory_space<vmem>>, vector<1x16xf32>,
      %mul3A_123 = arith.constant 5.000000e-03 : f32
      %mul3A_124 = vector.broadcast %mul3A_123 : f32 to vector<16xf32>
      %mul3A_125 = arith.mulf %scan3A_114#1, %mul3A_124 : vector<16xf32>
      %swap3A_126 = arith.index_cast %mul3A_59 : i32 to index
      %swap3A_127 = arith.constant 16 : index
      %swap3A_128 = tpu.vector_load %arg7[%swap3A_126, %swap3A_127] {strides = array<i32>} : memref<32x64xf32, #tpu.memory_space<vmem>>, vector<1x16xf32>,
      %swap3A_129 = vector.shape_cast %swap3A_128 : vector<1x16xf32> to vector<16xf32>
      %swap3A_130 = vector.shape_cast %mul3A_125 : vector<16xf32> to vector<1x16xf32>
      tpu.vector_store %arg7[%swap3A_126, %swap3A_127], %swap3A_130 {strides = array<i32>} : memref<32x64xf32, #tpu.memory_space<vmem>>, vector<1x16xf32>,
      %mul3A_131 = arith.constant 5.000000e-03 : f32
      %mul3A_132 = vector.broadcast %mul3A_131 : f32 to vector<16xf32>
      %mul3A_133 = arith.mulf %scan3A_114#2, %mul3A_132 : vector<16xf32>
      %swap3A_134 = arith.index_cast %mul3A_59 : i32 to index
      %swap3A_135 = arith.constant 32 : index
      %swap3A_136 = tpu.vector_load %arg7[%swap3A_134, %swap3A_135] {strides = array<i32>} : memref<32x64xf32, #tpu.memory_space<vmem>>, vector<1x16xf32>,
      %swap3A_137 = vector.shape_cast %swap3A_136 : vector<1x16xf32> to vector<16xf32>
      %swap3A_138 = vector.shape_cast %mul3A_133 : vector<16xf32> to vector<1x16xf32>
      tpu.vector_store %arg7[%swap3A_134, %swap3A_135], %swap3A_138 {strides = array<i32>} : memref<32x64xf32, #tpu.memory_space<vmem>>, vector<1x16xf32>,
      %mul3A_139 = arith.constant 5.000000e-03 : f32
      %mul3A_140 = vector.broadcast %mul3A_139 : f32 to vector<16xf32>
      %mul3A_141 = arith.mulf %scan3A_114#3, %mul3A_140 : vector<16xf32>
      %swap3A_142 = arith.index_cast %mul3A_59 : i32 to index
      %swap3A_143 = arith.constant 48 : index
      %swap3A_144 = tpu.vector_load %arg7[%swap3A_142, %swap3A_143] {strides = array<i32>} : memref<32x64xf32, #tpu.memory_space<vmem>>, vector<1x16xf32>,
      %swap3A_145 = vector.shape_cast %swap3A_144 : vector<1x16xf32> to vector<16xf32>
      %swap3A_146 = vector.shape_cast %mul3A_141 : vector<16xf32> to vector<1x16xf32>
      tpu.vector_store %arg7[%swap3A_142, %swap3A_143], %swap3A_146 {strides = array<i32>} : memref<32x64xf32, #tpu.memory_space<vmem>>, vector<1x16xf32>,
      %add3A_147 = arith.constant 2 : i32
      %add3A_148 = arith.addi %mul3A_59, %add3A_147 : i32
      %min3A_149 = arith.constant 31 : i32
      %min3A_150 = arith.minsi %add3A_148, %min3A_149 : i32
      %mul3A_151 = arith.constant 200 : i32
      %mul3A_152 = arith.muli %min3A_150, %mul3A_151 : i32
      %multiple_of3A_153 = tpu.assume_multiple %mul3A_152, 8 : i32
      %add3A_154 = arith.constant 0 : i32
      %add3A_155 = arith.addi %multiple_of3A_153, %add3A_154 : i32
      %dma_start3A_156 = arith.constant 0 : i32
      %dma_start3A_157 = arith.constant 0 : i32
      %dma_start3A_158 = arith.constant 0 : i32
      %dma_start3A_159 = tpu.memref_slice %arg6[%dma_start3A_156, %dma_start3A_157, %dma_start3A_158] : memref<2x200x64xf32, #tpu.memory_space<vmem>> -> memref<1x104x64xf32, #tpu.memory_space<vmem>>
      %dma_start3A_160 = tpu.memref_squeeze %dma_start3A_159 : memref<1x104x64xf32, #tpu.memory_space<vmem>> -> memref<104x64xf32, #tpu.memory_space<vmem>>
      %dma_start3A_161 = tpu.memref_slice %arg5[%add3A_155] : memref<6400xi32, #tpu.memory_space<vmem>> -> memref<104xi32, #tpu.memory_space<vmem>>
      %dma_start3A_162 = arith.constant 0 : i32
      %dma_start3A_163 = arith.constant 0 : i32
      %dma_start3A_164 = tpu.memref_slice %arg3[%dma_start3A_162, %dma_start3A_163] : memref<100000x64xf32, #tpu.memory_space<hbm>> -> memref<100000x64xf32, #tpu.memory_space<hbm>>
      tpu.enqueue_indirect_dma source(%dma_start3A_164 : memref<100000x64xf32, #tpu.memory_space<hbm>>) target(%dma_start3A_160 : memref<104x64xf32, #tpu.memory_space<vmem>>) offsets(%dma_start3A_161 : memref<104xi32, #tpu.memory_space<vmem>>) semaphore(%arg8 : memref<!tpu.dma_semaphore, #tpu.memory_space<semaphore_mem>>)
      %add3A_165 = arith.constant 104 : i32
      %add3A_166 = arith.addi %multiple_of3A_153, %add3A_165 : i32
      %dma_start3A_167 = arith.constant 0 : i32
      %dma_start3A_168 = arith.constant 104 : i32
      %dma_start3A_169 = arith.constant 0 : i32
      %dma_start3A_170 = tpu.memref_slice %arg6[%dma_start3A_167, %dma_start3A_168, %dma_start3A_169] : memref<2x200x64xf32, #tpu.memory_space<vmem>> -> memref<1x96x64xf32, #tpu.memory_space<vmem>>
      %dma_start3A_171 = tpu.memref_squeeze %dma_start3A_170 : memref<1x96x64xf32, #tpu.memory_space<vmem>> -> memref<96x64xf32, #tpu.memory_space<vmem>>
      %dma_start3A_172 = tpu.memref_slice %arg5[%add3A_166] : memref<6400xi32, #tpu.memory_space<vmem>> -> memref<96xi32, #tpu.memory_space<vmem>>
      %dma_start3A_173 = arith.constant 0 : i32
      %dma_start3A_174 = arith.constant 0 : i32
      %dma_start3A_175 = tpu.memref_slice %arg3[%dma_start3A_173, %dma_start3A_174] : memref<100000x64xf32, #tpu.memory_space<hbm>> -> memref<100000x64xf32, #tpu.memory_space<hbm>>
      tpu.enqueue_indirect_dma source(%dma_start3A_175 : memref<100000x64xf32, #tpu.memory_space<hbm>>) target(%dma_start3A_171 : memref<96x64xf32, #tpu.memory_space<vmem>>) offsets(%dma_start3A_172 : memref<96xi32, #tpu.memory_space<vmem>>) semaphore(%arg8 : memref<!tpu.dma_semaphore, #tpu.memory_space<semaphore_mem>>)
      %dma_wait3A_176 = arith.constant 1 : i32
      %dma_wait3A_177 = arith.constant 0 : i32
      %dma_wait3A_178 = arith.constant 0 : i32
      %dma_wait3A_179 = tpu.memref_slice %arg6[%dma_wait3A_176, %dma_wait3A_177, %dma_wait3A_178] : memref<2x200x64xf32, #tpu.memory_space<vmem>> -> memref<1x104x64xf32, #tpu.memory_space<vmem>>
      %dma_wait3A_180 = tpu.memref_squeeze %dma_wait3A_179 : memref<1x104x64xf32, #tpu.memory_space<vmem>> -> memref<104x64xf32, #tpu.memory_space<vmem>>
      %dma_wait3A_181 = arith.constant 0 : i32
      %dma_wait3A_182 = tpu.memref_slice %arg5[%dma_wait3A_181] : memref<6400xi32, #tpu.memory_space<vmem>> -> memref<104xi32, #tpu.memory_space<vmem>>
      %dma_wait3A_183 = arith.constant 0 : i32
      %dma_wait3A_184 = arith.constant 0 : i32
      %dma_wait3A_185 = tpu.memref_slice %arg3[%dma_wait3A_183, %dma_wait3A_184] : memref<100000x64xf32, #tpu.memory_space<hbm>> -> memref<100000x64xf32, #tpu.memory_space<hbm>>
      tpu.wait_indirect_dma semaphore(%arg9 : memref<!tpu.dma_semaphore, #tpu.memory_space<semaphore_mem>>) src(%dma_wait3A_185 : memref<100000x64xf32, #tpu.memory_space<hbm>>) dst(%dma_wait3A_180 : memref<104x64xf32, #tpu.memory_space<vmem>>)
      %dma_wait3A_186 = arith.constant 1 : i32
      %dma_wait3A_187 = arith.constant 104 : i32
      %dma_wait3A_188 = arith.constant 0 : i32
      %dma_wait3A_189 = tpu.memref_slice %arg6[%dma_wait3A_186, %dma_wait3A_187, %dma_wait3A_188] : memref<2x200x64xf32, #tpu.memory_space<vmem>> -> memref<1x96x64xf32, #tpu.memory_space<vmem>>
      %dma_wait3A_190 = tpu.memref_squeeze %dma_wait3A_189 : memref<1x96x64xf32, #tpu.memory_space<vmem>> -> memref<96x64xf32, #tpu.memory_space<vmem>>
      %dma_wait3A_191 = arith.constant 104 : i32
      %dma_wait3A_192 = tpu.memref_slice %arg5[%dma_wait3A_191] : memref<6400xi32, #tpu.memory_space<vmem>> -> memref<96xi32, #tpu.memory_space<vmem>>
      %dma_wait3A_193 = arith.constant 0 : i32
      %dma_wait3A_194 = arith.constant 0 : i32
      %dma_wait3A_195 = tpu.memref_slice %arg3[%dma_wait3A_193, %dma_wait3A_194] : memref<100000x64xf32, #tpu.memory_space<hbm>> -> memref<100000x64xf32, #tpu.memory_space<hbm>>
      tpu.wait_indirect_dma semaphore(%arg9 : memref<!tpu.dma_semaphore, #tpu.memory_space<semaphore_mem>>) src(%dma_wait3A_195 : memref<100000x64xf32, #tpu.memory_space<hbm>>) dst(%dma_wait3A_190 : memref<96x64xf32, #tpu.memory_space<vmem>>)
      %add3A_196 = arith.constant 1 : i32
      %add3A_197 = arith.addi %mul3A_59, %add3A_196 : i32
      %broadcast_in_dim3A_198 = arith.constant 0.000000e+00 : f32
      %broadcast_in_dim3A_199 = vector.broadcast %broadcast_in_dim3A_198 : f32 to vector<16xf32>
      %scan3A_200 = arith.constant 0 : i32
      %scan3A_201 = arith.constant 100 : i32
      %scan3A_202 = arith.addi %scan3A_200, %scan3A_201 : i32
      %scan3A_203 = arith.constant 1 : i32
      %scan3A_204:4 = scf.for %scan3A_239 = %scan3A_200 to %scan3A_202 step %scan3A_203 iter_args(%scan3A_240 = %broadcast_in_dim3A_199, %scan3A_241 = %broadcast_in_dim3A_199, %scan3A_242 = %broadcast_in_dim3A_199, %scan3A_243 = %broadcast_in_dim3A_199) -> (vector<16xf32>, vector<16xf32>, vector<16xf32>, vector<16xf32>)  : i32 {
        %mul3A_244 = arith.constant 2 : i32
        %mul3A_245 = arith.muli %mul3A_244, %scan3A_239 : i32
        %get3A = arith.constant 1 : i32
        %get3A_246 = arith.index_cast %get3A : i32 to index
        %get3A_247 = arith.index_cast %mul3A_245 : i32 to index
        %get3A_248 = arith.constant 0 : index
        %get3A_249 = tpu.vector_load %arg6[%get3A_246, %get3A_247, %get3A_248] {strides = array<i32>} : memref<2x200x64xf32, #tpu.memory_space<vmem>>, vector<1x1x16xf32>,
        %get3A_250 = vector.shape_cast %get3A_249 : vector<1x1x16xf32> to vector<16xf32>
        %add3A_251 = arith.addf %scan3A_240, %get3A_250 : vector<16xf32>
        %get3A_252 = arith.constant 1 : i32
        %get3A_253 = arith.index_cast %get3A_252 : i32 to index
        %get3A_254 = arith.index_cast %mul3A_245 : i32 to index
        %get3A_255 = arith.constant 16 : index
        %get3A_256 = tpu.vector_load %arg6[%get3A_253, %get3A_254, %get3A_255] {strides = array<i32>} : memref<2x200x64xf32, #tpu.memory_space<vmem>>, vector<1x1x16xf32>,
        %get3A_257 = vector.shape_cast %get3A_256 : vector<1x1x16xf32> to vector<16xf32>
        %add3A_258 = arith.addf %scan3A_241, %get3A_257 : vector<16xf32>
        %get3A_259 = arith.constant 1 : i32
        %get3A_260 = arith.index_cast %get3A_259 : i32 to index
        %get3A_261 = arith.index_cast %mul3A_245 : i32 to index
        %get3A_262 = arith.constant 32 : index
        %get3A_263 = tpu.vector_load %arg6[%get3A_260, %get3A_261, %get3A_262] {strides = array<i32>} : memref<2x200x64xf32, #tpu.memory_space<vmem>>, vector<1x1x16xf32>,
        %get3A_264 = vector.shape_cast %get3A_263 : vector<1x1x16xf32> to vector<16xf32>
        %add3A_265 = arith.addf %scan3A_242, %get3A_264 : vector<16xf32>
        %get3A_266 = arith.constant 1 : i32
        %get3A_267 = arith.index_cast %get3A_266 : i32 to index
        %get3A_268 = arith.index_cast %mul3A_245 : i32 to index
        %get3A_269 = arith.constant 48 : index
        %get3A_270 = tpu.vector_load %arg6[%get3A_267, %get3A_268, %get3A_269] {strides = array<i32>} : memref<2x200x64xf32, #tpu.memory_space<vmem>>, vector<1x1x16xf32>,
        %get3A_271 = vector.shape_cast %get3A_270 : vector<1x1x16xf32> to vector<16xf32>
        %add3A_272 = arith.addf %scan3A_243, %get3A_271 : vector<16xf32>
        %add3A_273 = arith.constant 1 : i32
        %add3A_274 = arith.addi %mul3A_245, %add3A_273 : i32
        %get3A_275 = arith.constant 1 : i32
        %get3A_276 = arith.index_cast %get3A_275 : i32 to index
        %get3A_277 = arith.index_cast %add3A_274 : i32 to index
        %get3A_278 = arith.constant 0 : index
        %get3A_279 = tpu.vector_load %arg6[%get3A_276, %get3A_277, %get3A_278] {strides = array<i32>} : memref<2x200x64xf32, #tpu.memory_space<vmem>>, vector<1x1x16xf32>,
        %get3A_280 = vector.shape_cast %get3A_279 : vector<1x1x16xf32> to vector<16xf32>
        %add3A_281 = arith.addf %add3A_251, %get3A_280 : vector<16xf32>
        %add3A_282 = arith.constant 1 : i32
        %add3A_283 = arith.addi %mul3A_245, %add3A_282 : i32
        %get3A_284 = arith.constant 1 : i32
        %get3A_285 = arith.index_cast %get3A_284 : i32 to index
        %get3A_286 = arith.index_cast %add3A_283 : i32 to index
        %get3A_287 = arith.constant 16 : index
        %get3A_288 = tpu.vector_load %arg6[%get3A_285, %get3A_286, %get3A_287] {strides = array<i32>} : memref<2x200x64xf32, #tpu.memory_space<vmem>>, vector<1x1x16xf32>,
        %get3A_289 = vector.shape_cast %get3A_288 : vector<1x1x16xf32> to vector<16xf32>
        %add3A_290 = arith.addf %add3A_258, %get3A_289 : vector<16xf32>
        %add3A_291 = arith.constant 1 : i32
        %add3A_292 = arith.addi %mul3A_245, %add3A_291 : i32
        %get3A_293 = arith.constant 1 : i32
        %get3A_294 = arith.index_cast %get3A_293 : i32 to index
        %get3A_295 = arith.index_cast %add3A_292 : i32 to index
        %get3A_296 = arith.constant 32 : index
        %get3A_297 = tpu.vector_load %arg6[%get3A_294, %get3A_295, %get3A_296] {strides = array<i32>} : memref<2x200x64xf32, #tpu.memory_space<vmem>>, vector<1x1x16xf32>,
        %get3A_298 = vector.shape_cast %get3A_297 : vector<1x1x16xf32> to vector<16xf32>
        %add3A_299 = arith.addf %add3A_265, %get3A_298 : vector<16xf32>
        %add3A_300 = arith.constant 1 : i32
        %add3A_301 = arith.addi %mul3A_245, %add3A_300 : i32
        %get3A_302 = arith.constant 1 : i32
        %get3A_303 = arith.index_cast %get3A_302 : i32 to index
        %get3A_304 = arith.index_cast %add3A_301 : i32 to index
        %get3A_305 = arith.constant 48 : index
        %get3A_306 = tpu.vector_load %arg6[%get3A_303, %get3A_304, %get3A_305] {strides = array<i32>} : memref<2x200x64xf32, #tpu.memory_space<vmem>>, vector<1x1x16xf32>,
        %get3A_307 = vector.shape_cast %get3A_306 : vector<1x1x16xf32> to vector<16xf32>
        %add3A_308 = arith.addf %add3A_272, %get3A_307 : vector<16xf32>
        scf.yield %add3A_281, %add3A_290, %add3A_299, %add3A_308 : vector<16xf32>, vector<16xf32>, vector<16xf32>, vector<16xf32>
      }
      %scan3A_205 = arith.constant 100 : i32
      %mul3A_206 = arith.constant 5.000000e-03 : f32
      %mul3A_207 = vector.broadcast %mul3A_206 : f32 to vector<16xf32>
      %mul3A_208 = arith.mulf %scan3A_204#0, %mul3A_207 : vector<16xf32>
      %swap3A_209 = arith.index_cast %add3A_197 : i32 to index
      %swap3A_210 = arith.constant 0 : index
      %swap3A_211 = tpu.vector_load %arg7[%swap3A_209, %swap3A_210] {strides = array<i32>} : memref<32x64xf32, #tpu.memory_space<vmem>>, vector<1x16xf32>,
      %swap3A_212 = vector.shape_cast %swap3A_211 : vector<1x16xf32> to vector<16xf32>
      %swap3A_213 = vector.shape_cast %mul3A_208 : vector<16xf32> to vector<1x16xf32>
      tpu.vector_store %arg7[%swap3A_209, %swap3A_210], %swap3A_213 {strides = array<i32>} : memref<32x64xf32, #tpu.memory_space<vmem>>, vector<1x16xf32>,
      %mul3A_214 = arith.constant 5.000000e-03 : f32
      %mul3A_215 = vector.broadcast %mul3A_214 : f32 to vector<16xf32>
      %mul3A_216 = arith.mulf %scan3A_204#1, %mul3A_215 : vector<16xf32>
      %swap3A_217 = arith.index_cast %add3A_197 : i32 to index
      %swap3A_218 = arith.constant 16 : index
      %swap3A_219 = tpu.vector_load %arg7[%swap3A_217, %swap3A_218] {strides = array<i32>} : memref<32x64xf32, #tpu.memory_space<vmem>>, vector<1x16xf32>,
      %swap3A_220 = vector.shape_cast %swap3A_219 : vector<1x16xf32> to vector<16xf32>
      %swap3A_221 = vector.shape_cast %mul3A_216 : vector<16xf32> to vector<1x16xf32>
      tpu.vector_store %arg7[%swap3A_217, %swap3A_218], %swap3A_221 {strides = array<i32>} : memref<32x64xf32, #tpu.memory_space<vmem>>, vector<1x16xf32>,
      %mul3A_222 = arith.constant 5.000000e-03 : f32
      %mul3A_223 = vector.broadcast %mul3A_222 : f32 to vector<16xf32>
      %mul3A_224 = arith.mulf %scan3A_204#2, %mul3A_223 : vector<16xf32>
      %swap3A_225 = arith.index_cast %add3A_197 : i32 to index
      %swap3A_226 = arith.constant 32 : index
      %swap3A_227 = tpu.vector_load %arg7[%swap3A_225, %swap3A_226] {strides = array<i32>} : memref<32x64xf32, #tpu.memory_space<vmem>>, vector<1x16xf32>,
      %swap3A_228 = vector.shape_cast %swap3A_227 : vector<1x16xf32> to vector<16xf32>
      %swap3A_229 = vector.shape_cast %mul3A_224 : vector<16xf32> to vector<1x16xf32>
      tpu.vector_store %arg7[%swap3A_225, %swap3A_226], %swap3A_229 {strides = array<i32>} : memref<32x64xf32, #tpu.memory_space<vmem>>, vector<1x16xf32>,
      %mul3A_230 = arith.constant 5.000000e-03 : f32
      %mul3A_231 = vector.broadcast %mul3A_230 : f32 to vector<16xf32>
      %mul3A_232 = arith.mulf %scan3A_204#3, %mul3A_231 : vector<16xf32>
      %swap3A_233 = arith.index_cast %add3A_197 : i32 to index
      %swap3A_234 = arith.constant 48 : index
      %swap3A_235 = tpu.vector_load %arg7[%swap3A_233, %swap3A_234] {strides = array<i32>} : memref<32x64xf32, #tpu.memory_space<vmem>>, vector<1x16xf32>,
      %swap3A_236 = vector.shape_cast %swap3A_235 : vector<1x16xf32> to vector<16xf32>
      %swap3A_237 = vector.shape_cast %mul3A_232 : vector<16xf32> to vector<1x16xf32>
      tpu.vector_store %arg7[%swap3A_233, %swap3A_234], %swap3A_237 {strides = array<i32>} : memref<32x64xf32, #tpu.memory_space<vmem>>, vector<1x16xf32>,
      %scan3A_238 = arith.constant 0 : i32
      scf.yield %scan3A_238 : i32
    }
    %scan3A_36 = arith.constant 16 : i32
    %dma_wait3A = arith.constant 0 : i32
    %dma_wait3A_37 = arith.constant 0 : i32
    %dma_wait3A_38 = arith.constant 0 : i32
    %dma_wait3A_39 = tpu.memref_slice %arg6[%dma_wait3A, %dma_wait3A_37, %dma_wait3A_38] : memref<2x200x64xf32, #tpu.memory_space<vmem>> -> memref<1x104x64xf32, #tpu.memory_space<vmem>>
    %dma_wait3A_40 = tpu.memref_squeeze %dma_wait3A_39 : memref<1x104x64xf32, #tpu.memory_space<vmem>> -> memref<104x64xf32, #tpu.memory_space<vmem>>
    %dma_wait3A_41 = arith.constant 0 : i32
    %dma_wait3A_42 = tpu.memref_slice %arg5[%dma_wait3A_41] : memref<6400xi32, #tpu.memory_space<vmem>> -> memref<104xi32, #tpu.memory_space<vmem>>
    %dma_wait3A_43 = arith.constant 0 : i32
    %dma_wait3A_44 = arith.constant 0 : i32
    %dma_wait3A_45 = tpu.memref_slice %arg3[%dma_wait3A_43, %dma_wait3A_44] : memref<100000x64xf32, #tpu.memory_space<hbm>> -> memref<100000x64xf32, #tpu.memory_space<hbm>>
    tpu.wait_indirect_dma semaphore(%arg8 : memref<!tpu.dma_semaphore, #tpu.memory_space<semaphore_mem>>) src(%dma_wait3A_45 : memref<100000x64xf32, #tpu.memory_space<hbm>>) dst(%dma_wait3A_40 : memref<104x64xf32, #tpu.memory_space<vmem>>)
    %dma_wait3A_46 = arith.constant 0 : i32
    %dma_wait3A_47 = arith.constant 104 : i32
    %dma_wait3A_48 = arith.constant 0 : i32
    %dma_wait3A_49 = tpu.memref_slice %arg6[%dma_wait3A_46, %dma_wait3A_47, %dma_wait3A_48] : memref<2x200x64xf32, #tpu.memory_space<vmem>> -> memref<1x96x64xf32, #tpu.memory_space<vmem>>
    %dma_wait3A_50 = tpu.memref_squeeze %dma_wait3A_49 : memref<1x96x64xf32, #tpu.memory_space<vmem>> -> memref<96x64xf32, #tpu.memory_space<vmem>>
    %dma_wait3A_51 = arith.constant 104 : i32
    %dma_wait3A_52 = tpu.memref_slice %arg5[%dma_wait3A_51] : memref<6400xi32, #tpu.memory_space<vmem>> -> memref<96xi32, #tpu.memory_space<vmem>>
    %dma_wait3A_53 = arith.constant 0 : i32
    %dma_wait3A_54 = arith.constant 0 : i32
    %dma_wait3A_55 = tpu.memref_slice %arg3[%dma_wait3A_53, %dma_wait3A_54] : memref<100000x64xf32, #tpu.memory_space<hbm>> -> memref<100000x64xf32, #tpu.memory_space<hbm>>
    tpu.wait_indirect_dma semaphore(%arg8 : memref<!tpu.dma_semaphore, #tpu.memory_space<semaphore_mem>>) src(%dma_wait3A_55 : memref<100000x64xf32, #tpu.memory_space<hbm>>) dst(%dma_wait3A_50 : memref<96x64xf32, #tpu.memory_space<vmem>>)
    "tpu.region"() ({
      %run_scoped3A = tpu.sem_alloc : memref<!tpu.dma_semaphore, #tpu.memory_space<semaphore_mem>>
      %dma_start3A_56 = arith.constant 0 : i32
      %dma_start3A_57 = tpu.memref_slice %arg4[%mul3A_2, %dma_start3A_56] : memref<1024x64xf32, #tpu.memory_space<hbm>> -> memref<32x64xf32, #tpu.memory_space<hbm>>
      %dma_start3A_58 = arith.constant 0 : i32
      %dma_start3A_59 = tpu.memref_slice %arg4[%mul3A_2, %dma_start3A_58] : memref<1024x64xf32, #tpu.memory_space<hbm>> -> memref<32x64xf32, #tpu.memory_space<hbm>>
      tpu.enqueue_dma source(%arg7 : memref<32x64xf32, #tpu.memory_space<vmem>>) target(%dma_start3A_59 : memref<32x64xf32, #tpu.memory_space<hbm>>) target_semaphore(%run_scoped3A : memref<!tpu.dma_semaphore, #tpu.memory_space<semaphore_mem>>)
      %dma_wait3A_60 = arith.constant 0 : i32
      %dma_wait3A_61 = tpu.memref_slice %arg4[%mul3A_2, %dma_wait3A_60] : memref<1024x64xf32, #tpu.memory_space<hbm>> -> memref<32x64xf32, #tpu.memory_space<hbm>>
      %dma_wait3A_62 = arith.constant 0 : i32
      %dma_wait3A_63 = tpu.memref_slice %arg4[%mul3A_2, %dma_wait3A_62] : memref<1024x64xf32, #tpu.memory_space<hbm>> -> memref<32x64xf32, #tpu.memory_space<hbm>>
      tpu.wait_dma2 semaphore(%run_scoped3A : memref<!tpu.dma_semaphore, #tpu.memory_space<semaphore_mem>>) src(%arg7 : memref<32x64xf32, #tpu.memory_space<vmem>>) dst(%dma_wait3A_63 : memref<32x64xf32, #tpu.memory_space<hbm>>)
      tpu.yield
    }) : () -> ()
    return
  }
}

module attributes {stable_mosaic.version = 14 : i64} {
  func.func @_logits_loss_body(%arg0: i32, %arg1: memref<64x1024xf32, #tpu.memory_space<vmem>>, %arg2: memref<64x1024xf32, #tpu.memory_space<vmem>>, %arg3: memref<1024x1xf32, #tpu.memory_space<vmem>>, %arg4: memref<1x1024xi32, #tpu.memory_space<vmem>>, %arg5: memref<1024x1024xf32, #tpu.memory_space<vmem>>, %arg6: memref<1x1xf32, #tpu.memory_space<vmem>>, %arg7: memref<1x1024xf32, #tpu.memory_space<vmem>>, %arg8: memref<1x1024xf32, #tpu.memory_space<vmem>>, %arg9: memref<1x1024xf32, #tpu.memory_space<vmem>>) attributes {dimension_semantics = [#tpu.dimension_semantics<arbitrary>], iteration_bounds = array<i64: 98>, scalar_prefetch = 0 : i64, scratch_operands = 3 : i64, tpu.core_type = #tpu.core_type<tc>, window_params = [{pipeline_mode = #tpu.pipeline_mode<synchronous>, transform_indices = @transform_0, window_bounds = array<i64: 64, 1024>}, {transform_indices = @transform_1, window_bounds = array<i64: 64, 1024>}, {transform_indices = @transform_2, window_bounds = array<i64: 1024, 1>}, {pipeline_mode = #tpu.pipeline_mode<synchronous>, transform_indices = @transform_3, window_bounds = array<i64: 1, 1024>}, {transform_indices = @transform_4, window_bounds = array<i64: 1024, 1024>}, {pipeline_mode = #tpu.pipeline_mode<synchronous>, transform_indices = @transform_5, window_bounds = array<i64: 1, 1>}]} {
    %eq3A = arith.constant 0 : i32
    %eq3A_0 = arith.cmpi eq, %arg0, %eq3A : i32
    %convert_element_type3A = arith.extui %eq3A_0 : i1 to i32
    %cond3A = arith.constant 0 : i32
    %cond3A_1 = arith.cmpi ne, %convert_element_type3A, %cond3A : i32
    scf.if %cond3A_1 {
      %broadcast_in_dim3A_69 = arith.constant 0xFF800000 : f32
      %broadcast_in_dim3A_70 = vector.broadcast %broadcast_in_dim3A_69 : f32 to vector<1x1024xf32>
      %swap3A_71 = arith.constant 0 : index
      %swap3A_72 = arith.constant 0 : index
      %swap3A_73 = vector.load %arg7[%swap3A_71, %swap3A_72] : memref<1x1024xf32, #tpu.memory_space<vmem>>, vector<1x1024xf32>
      tpu.vector_store %arg7[%swap3A_71, %swap3A_72], %broadcast_in_dim3A_70 {strides = array<i32>} : memref<1x1024xf32, #tpu.memory_space<vmem>>, vector<1x1024xf32>,
      %broadcast_in_dim3A_74 = arith.constant 0.000000e+00 : f32
      %broadcast_in_dim3A_75 = vector.broadcast %broadcast_in_dim3A_74 : f32 to vector<1x1024xf32>
      %swap3A_76 = arith.constant 0 : index
      %swap3A_77 = arith.constant 0 : index
      %swap3A_78 = vector.load %arg8[%swap3A_76, %swap3A_77] : memref<1x1024xf32, #tpu.memory_space<vmem>>, vector<1x1024xf32>
      tpu.vector_store %arg8[%swap3A_76, %swap3A_77], %broadcast_in_dim3A_75 {strides = array<i32>} : memref<1x1024xf32, #tpu.memory_space<vmem>>, vector<1x1024xf32>,
      %broadcast_in_dim3A_79 = arith.constant 0.000000e+00 : f32
      %broadcast_in_dim3A_80 = vector.broadcast %broadcast_in_dim3A_79 : f32 to vector<1x1024xf32>
      %swap3A_81 = arith.constant 0 : index
      %swap3A_82 = arith.constant 0 : index
      %swap3A_83 = vector.load %arg9[%swap3A_81, %swap3A_82] : memref<1x1024xf32, #tpu.memory_space<vmem>>, vector<1x1024xf32>
      tpu.vector_store %arg9[%swap3A_81, %swap3A_82], %broadcast_in_dim3A_80 {strides = array<i32>} : memref<1x1024xf32, #tpu.memory_space<vmem>>, vector<1x1024xf32>,
      %broadcast_in_dim3A_84 = arith.constant 0.000000e+00 : f32
      %broadcast_in_dim3A_85 = vector.broadcast %broadcast_in_dim3A_84 : f32 to vector<1x1xf32>
      %swap3A_86 = arith.constant 0 : index
      %swap3A_87 = arith.constant 0 : index
      %swap3A_88 = vector.load %arg6[%swap3A_86, %swap3A_87] : memref<1x1xf32, #tpu.memory_space<vmem>>, vector<1x1xf32>
      tpu.vector_store %arg6[%swap3A_86, %swap3A_87], %broadcast_in_dim3A_85 {strides = array<i32>} : memref<1x1xf32, #tpu.memory_space<vmem>>, vector<1x1xf32>,
    } else {
    }
    %get3A = arith.constant 0 : index
    %get3A_2 = arith.constant 0 : index
    %get3A_3 = vector.load %arg2[%get3A, %get3A_2] : memref<64x1024xf32, #tpu.memory_space<vmem>>, vector<64x1024xf32>
    %get3A_4 = arith.constant 0 : index
    %get3A_5 = arith.constant 0 : index
    %get3A_6 = vector.load %arg1[%get3A_4, %get3A_5] : memref<64x1024xf32, #tpu.memory_space<vmem>>, vector<64x1024xf32>
    %dot_general3A = arith.constant dense<0.000000e+00> : vector<1024x1024xf32>
    %dot_general3A_7 = tpu.matmul %get3A_3, %get3A_6, %dot_general3A {dimension_numbers = #tpu.dot_dimension_numbers<[0], [0], [1], [1], [0, 1, 1, 1], [], []>, transpose_lhs_hint = false} : vector<64x1024xf32>, vector<64x1024xf32>, vector<1024x1024xf32> -> vector<1024x1024xf32>
    %get3A_8 = arith.constant 0 : index
    %get3A_9 = arith.constant 0 : index
    %get3A_10 = vector.load %arg3[%get3A_8, %get3A_9] : memref<1024x1xf32, #tpu.memory_space<vmem>>, vector<1024x1xf32>
    %add3A = vector.broadcast %get3A_10 : vector<1024x1xf32> to vector<1024x1024xf32>
    %add3A_11 = arith.addf %dot_general3A_7, %add3A : vector<1024x1024xf32>
    %swap3A = arith.constant 0 : index
    %swap3A_12 = arith.constant 0 : index
    %swap3A_13 = vector.load %arg5[%swap3A, %swap3A_12] : memref<1024x1024xf32, #tpu.memory_space<vmem>>, vector<1024x1024xf32>
    tpu.vector_store %arg5[%swap3A, %swap3A_12], %add3A_11 {strides = array<i32>} : memref<1024x1024xf32, #tpu.memory_space<vmem>>, vector<1024x1024xf32>,
    %mul3A = arith.constant 1024 : i32
    %mul3A_14 = arith.muli %arg0, %mul3A : i32
    %iota3A = tpu.iota {dimensions = array<i32: 0>} : vector<1024x1xi32>
    %add3A_15 = vector.broadcast %mul3A_14 : i32 to vector<1024x1xi32>
    %add3A_16 = arith.addi %add3A_15, %iota3A : vector<1024x1xi32>
    %lt3A = arith.constant 100000 : i32
    %lt3A_17 = vector.broadcast %lt3A : i32 to vector<1024x1xi32>
    %lt3A_18 = arith.cmpi slt, %add3A_16, %lt3A_17 : vector<1024x1xi32>
    %jit3A = arith.constant 0xFF800000 : f32
    %broadcast_in_dim3A = vector.shape_cast %lt3A_18 : vector<1024x1xi1> to vector<1024x1xi1>
    %broadcast_in_dim3A_19 = vector.broadcast %broadcast_in_dim3A : vector<1024x1xi1> to vector<1024x1024xi1>
    %broadcast_in_dim3A_20 = vector.broadcast %jit3A : f32 to vector<1024x1024xf32>
    %select_n3A = arith.select %broadcast_in_dim3A_19, %add3A_11, %broadcast_in_dim3A_20 : vector<1024x1024xi1>, vector<1024x1024xf32>
    %reduce_max3A = arith.constant dense<0xFF800000> : vector<1024xf32>
    %reduce_max3A_21 = vector.multi_reduction <maximumf>, %select_n3A, %reduce_max3A [0] : vector<1024x1024xf32> to vector<1024xf32>
    %broadcast_in_dim3A_22 = vector.shape_cast %reduce_max3A_21 : vector<1024xf32> to vector<1x1024xf32>
    %get3A_23 = arith.constant 0 : index
    %get3A_24 = arith.constant 0 : index
    %get3A_25 = vector.load %arg7[%get3A_23, %get3A_24] : memref<1x1024xf32, #tpu.memory_space<vmem>>, vector<1x1024xf32>
    %max3A = arith.maximumf %get3A_25, %broadcast_in_dim3A_22 : vector<1x1024xf32>
    %get3A_26 = arith.constant 0 : index
    %get3A_27 = arith.constant 0 : index
    %get3A_28 = vector.load %arg8[%get3A_26, %get3A_27] : memref<1x1024xf32, #tpu.memory_space<vmem>>, vector<1x1024xf32>
    %get3A_29 = arith.constant 0 : index
    %get3A_30 = arith.constant 0 : index
    %get3A_31 = vector.load %arg7[%get3A_29, %get3A_30] : memref<1x1024xf32, #tpu.memory_space<vmem>>, vector<1x1024xf32>
    %sub3A = arith.subf %get3A_31, %max3A : vector<1x1024xf32>
    %exp3A = math.exp %sub3A : vector<1x1024xf32>
    %mul3A_32 = arith.mulf %get3A_28, %exp3A : vector<1x1024xf32>
    %sub3A_33 = vector.broadcast %max3A : vector<1x1024xf32> to vector<1024x1024xf32>
    %sub3A_34 = arith.subf %select_n3A, %sub3A_33 : vector<1024x1024xf32>
    %exp3A_35 = math.exp %sub3A_34 : vector<1024x1024xf32>
    %reduce_sum3A = arith.constant dense<0.000000e+00> : vector<1024xf32>
    %reduce_sum3A_36 = vector.multi_reduction <add>, %exp3A_35, %reduce_sum3A [0] : vector<1024x1024xf32> to vector<1024xf32>
    %broadcast_in_dim3A_37 = vector.shape_cast %reduce_sum3A_36 : vector<1024xf32> to vector<1x1024xf32>
    %add3A_38 = arith.addf %mul3A_32, %broadcast_in_dim3A_37 : vector<1x1024xf32>
    %swap3A_39 = arith.constant 0 : index
    %swap3A_40 = arith.constant 0 : index
    %swap3A_41 = vector.load %arg8[%swap3A_39, %swap3A_40] : memref<1x1024xf32, #tpu.memory_space<vmem>>, vector<1x1024xf32>
    tpu.vector_store %arg8[%swap3A_39, %swap3A_40], %add3A_38 {strides = array<i32>} : memref<1x1024xf32, #tpu.memory_space<vmem>>, vector<1x1024xf32>,
    %swap3A_42 = arith.constant 0 : index
    %swap3A_43 = arith.constant 0 : index
    %swap3A_44 = vector.load %arg7[%swap3A_42, %swap3A_43] : memref<1x1024xf32, #tpu.memory_space<vmem>>, vector<1x1024xf32>
    tpu.vector_store %arg7[%swap3A_42, %swap3A_43], %max3A {strides = array<i32>} : memref<1x1024xf32, #tpu.memory_space<vmem>>, vector<1x1024xf32>,
    %get3A_45 = arith.constant 0 : index
    %get3A_46 = arith.constant 0 : index
    %get3A_47 = vector.load %arg9[%get3A_45, %get3A_46] : memref<1x1024xf32, #tpu.memory_space<vmem>>, vector<1x1024xf32>
    %get3A_48 = arith.constant 0 : index
    %get3A_49 = arith.constant 0 : index
    %get3A_50 = vector.load %arg4[%get3A_48, %get3A_49] : memref<1x1024xi32, #tpu.memory_space<vmem>>, vector<1x1024xi32>
    %eq3A_51 = vector.broadcast %add3A_16 : vector<1024x1xi32> to vector<1024x1024xi32>
    %eq3A_52 = vector.broadcast %get3A_50 : vector<1x1024xi32> to vector<1024x1024xi32>
    %eq3A_53 = arith.cmpi eq, %eq3A_51, %eq3A_52 : vector<1024x1024xi32>
    %jit3A_54 = arith.constant 0.000000e+00 : f32
    %broadcast_in_dim3A_55 = vector.broadcast %jit3A_54 : f32 to vector<1024x1024xf32>
    %select_n3A_56 = arith.select %eq3A_53, %select_n3A, %broadcast_in_dim3A_55 : vector<1024x1024xi1>, vector<1024x1024xf32>
    %reduce_sum3A_57 = arith.constant dense<0.000000e+00> : vector<1024xf32>
    %reduce_sum3A_58 = vector.multi_reduction <add>, %select_n3A_56, %reduce_sum3A_57 [0] : vector<1024x1024xf32> to vector<1024xf32>
    %broadcast_in_dim3A_59 = vector.shape_cast %reduce_sum3A_58 : vector<1024xf32> to vector<1x1024xf32>
    %add3A_60 = arith.addf %get3A_47, %broadcast_in_dim3A_59 : vector<1x1024xf32>
    %swap3A_61 = arith.constant 0 : index
    %swap3A_62 = arith.constant 0 : index
    %swap3A_63 = vector.load %arg9[%swap3A_61, %swap3A_62] : memref<1x1024xf32, #tpu.memory_space<vmem>>, vector<1x1024xf32>
    tpu.vector_store %arg9[%swap3A_61, %swap3A_62], %add3A_60 {strides = array<i32>} : memref<1x1024xf32, #tpu.memory_space<vmem>>, vector<1x1024xf32>,
    %eq3A_64 = arith.constant 97 : i32
    %eq3A_65 = arith.cmpi eq, %arg0, %eq3A_64 : i32
    %convert_element_type3A_66 = arith.extui %eq3A_65 : i1 to i32
    %cond3A_67 = arith.constant 0 : i32
    %cond3A_68 = arith.cmpi ne, %convert_element_type3A_66, %cond3A_67 : i32
    scf.if %cond3A_68 {
      %get3A_69 = arith.constant 0 : index
      %get3A_70 = arith.constant 0 : index
      %get3A_71 = vector.load %arg7[%get3A_69, %get3A_70] : memref<1x1024xf32, #tpu.memory_space<vmem>>, vector<1x1024xf32>
      %get3A_72 = arith.constant 0 : index
      %get3A_73 = arith.constant 0 : index
      %get3A_74 = vector.load %arg8[%get3A_72, %get3A_73] : memref<1x1024xf32, #tpu.memory_space<vmem>>, vector<1x1024xf32>
      %log3A = math.log %get3A_74 : vector<1x1024xf32>
      %add3A_75 = arith.addf %get3A_71, %log3A : vector<1x1024xf32>
      %get3A_76 = arith.constant 0 : index
      %get3A_77 = arith.constant 0 : index
      %get3A_78 = vector.load %arg9[%get3A_76, %get3A_77] : memref<1x1024xf32, #tpu.memory_space<vmem>>, vector<1x1024xf32>
      %sub3A_79 = arith.subf %add3A_75, %get3A_78 : vector<1x1024xf32>
      %reduce_sum3A_80 = vector.shape_cast %sub3A_79 : vector<1x1024xf32> to vector<1x1x1024xf32>
      %reduce_sum3A_81 = arith.constant dense<0.000000e+00> : vector<1xf32>
      %reduce_sum3A_82 = vector.multi_reduction <add>, %reduce_sum3A_80, %reduce_sum3A_81 [1, 2] : vector<1x1x1024xf32> to vector<1xf32>
      %reduce_sum3A_83 = vector.shape_cast %reduce_sum3A_82 : vector<1xf32> to vector<1x1x1xf32>
      %reduce_sum3A_84 = vector.extract %reduce_sum3A_83[0, 0, 0] : f32 from vector<1x1x1xf32>
      %div3A = arith.constant 1.024000e+03 : f32
      %div3A_85 = arith.divf %reduce_sum3A_84, %div3A : f32
      %reshape3A = vector.broadcast %div3A_85 : f32 to vector<1x1xf32>
      %swap3A_86 = arith.constant 0 : index
      %swap3A_87 = arith.constant 0 : index
      %swap3A_88 = vector.load %arg6[%swap3A_86, %swap3A_87] : memref<1x1xf32, #tpu.memory_space<vmem>>, vector<1x1xf32>
      tpu.vector_store %arg6[%swap3A_86, %swap3A_87], %reshape3A {strides = array<i32>} : memref<1x1xf32, #tpu.memory_space<vmem>>, vector<1x1xf32>,
    } else {
    }
    return
  }
  func.func @transform_0(%arg0: i32) -> (i32, i32) {
    %c0_i32 = arith.constant 0 : i32
    %c0_i32_0 = arith.constant 0 : i32
    %c0_i32_1 = arith.constant 0 : i32
    return %c0_i32, %c0_i32_0 : i32, i32
  }
  func.func @transform_1(%arg0: i32) -> (i32, i32) {
    %c0_i32 = arith.constant 0 : i32
    %c0_i32_0 = arith.constant 0 : i32
    return %c0_i32, %arg0 : i32, i32
  }
  func.func @transform_2(%arg0: i32) -> (i32, i32) {
    %c0_i32 = arith.constant 0 : i32
    %c0_i32_0 = arith.constant 0 : i32
    return %arg0, %c0_i32 : i32, i32
  }
  func.func @transform_3(%arg0: i32) -> (i32, i32) {
    %c0_i32 = arith.constant 0 : i32
    %c0_i32_0 = arith.constant 0 : i32
    %c0_i32_1 = arith.constant 0 : i32
    return %c0_i32, %c0_i32_0 : i32, i32
  }
  func.func @transform_4(%arg0: i32) -> (i32, i32) {
    %c0_i32 = arith.constant 0 : i32
    %c0_i32_0 = arith.constant 0 : i32
    return %arg0, %c0_i32 : i32, i32
  }
  func.func @transform_5(%arg0: i32) -> (i32, i32) {
    %c0_i32 = arith.constant 0 : i32
    %c0_i32_0 = arith.constant 0 : i32
    %c0_i32_1 = arith.constant 0 : i32
    return %c0_i32, %c0_i32_0 : i32, i32
  }
}

</mosaic_0001>

<sc_bundles>
// kernel: kernel.4.cloned.1.call-start
scs
__scs_entry_jumppad:
0x0: {  	(pc) =	sbr.rel $0x88, $3  }
0x1: {  	(tag) =	ssettag $0x0;
	lr =	simm.s32 $0x1  }
0x2: {  	[smem:$0x3F9C] =	sst lr;
	_ =	strace $0xD0000000  }
0x3: {  	_ = 	snop  }
0x4: {  	_ = 	snop  }
0x5: {  	_ = 	snop  }
0x6: {  	_ = 	snop  }
0x7: {  	_ = 	snop  }
__scs_overlays_trampoline_lowered:
0x8: {  	[smem:$0x3FAB] =	sst s0  }
0x9: {  	[smem:$0x3FAC] =	sst s1  }
0xa: {  	[smem:$0x3FAD] =	sst s2  }
0xb: {  	[smem:$0x3FAE] =	sst s3  }
0xc: {  	[smem:$0x3FAF] =	sst s4  }
0xd: {  	[smem:$0x3FB0] =	sst s5  }
0xe: {  	[smem:$0x3FB1] =	sst s6  }
0xf: {  	[smem:$0x3FB2] =	sst s7  }
0x10: {  	[smem:$0x3FB3] =	sst s8  }
0x11: {  	[smem:$0x3FB4] =	sst s9;
	s0 =	simm.s32 @!p0 $0x0  }
0x12: {  	s1 =	sld [smem:$0x3F9A];
	s0 =	simm.s32 @p0 $0x1  }
0x13: {  	[smem:$0x3FB5] =	sst s0;
	s0 =	simm.s32 @!p1 $0x0  }
0x14: {  	s2 =	sld [smem:$0x3F99];
	s0 =	simm.s32 @p1 $0x1  }
0x15: {  	[smem:$0x3FB6] =	sst s0;
	s0 =	simm.s32 @!p2 $0x0  }
0x16: {  	s3 =	sld [smem:$0x3FDB];
	s0 =	simm.s32 @p2 $0x1  }
0x17: {  	s4 =	simm.s32 $0x1BF5;
	[smem:$0x3FB8] =	sst s0  }
0x18: {  	s0 =	sld [smem:$0x3F9B];
	_ =	swait.ge [sflag:s4], $0x0  }
0x19: {  	s7 =	sld [smem:$0x3F9C]  }
0x1a: {  	s8 =	sadd.s32 $0xFFFFE003, lr  }
0x1b: {  	s9 =	sadd.s32 $0xFFFFFEF7, lr;
	s5 =	simm.s32 $0xFFFFFFFF;
	p2 =	slt.u32 s8, $0xFFFFF086  }
0x1c: {  	p1 =	slt.u32 s9, $0xF7A;
	s5 =	simm.s32 @!p2 $0x0  }
0x1d: {  	s5 =	simm.s32 @p1 $0x1;
	p0 =	seq.s32 s7, s2  }
0x1e: {  	s7 =	smul.u32 @!p0 $0xF7A, s2;
	p2 =	seq.s32 @!p0 s5, $0x0  }
0x1f: {  	s9 =	smul.u32 $0xF7A, s1;
	s8 =	simm.s32 @!p0 $0x1BF5;
	p2 =	por !p2, p0  }
0x20: {  	[sflag:s8] =	ssyncset.s32 @!p0 $0xFFFFF086;
	s6 =	sadd.s32 @!p0 s3, s7;
	s7 =	simm.s32 @!p0 $0x108  }
0x21: {  	s3 =	sadd.s32 s3, s9;
	s6 =	sadd.s32 @!p0 $0x88, s6;
	s7 =	simm.s32 @p2 $0x1082  }
0x22: {  	[simem:s7], [sflag:s8] =	dma.local @!p0 [hbm:s6], $0xF7A  }
0x23: {  	s9 =	sor.u32 $0xD0000000, s2;
	s6 =	simm.s32 $0x108;
	_ =	swait.ge @!p0 [sflag:s8], $0x0  }
0x24: {  	s3 =	sadd.s32 $0x88, s3;
	s6 =	simm.s32 @!p1 $0x1082;
	[sflag:s4] =	ssyncset.s32 $0xFFFFF086  }
0x25: {  	[simem:s6], [sflag:s4] =	dma.local [hbm:s3], $0xF7A  }
0x26: {  	[smem:$0x3F9C] =	sst s1;
	(tag) =	ssettag s2;
	_ =	strace s9  }
0x27: {  	s1 =	sld [smem:$0x3FAC]  }
0x28: {  	s2 =	sld [smem:$0x3FAD]  }
0x29: {  	s4 =	sld [smem:$0x3FAF]  }
0x2a: {  	p0 =	seq.s32 s5, $0x0;
	s5 =	sld [smem:$0x3FB0]  }
0x2b: {  	s6 =	sld [smem:$0x3FB1]  }
0x2c: {  	s7 =	sld [smem:$0x3FB2]  }
0x2d: {  	s3 =	simm.s32 $0x108;
	s8 =	sld [smem:$0x3FB3]  }
0x2e: {  	s3 =	simm.s32 @!p0 $0x1082;
	s9 =	sld [smem:$0x3FB4]  }
0x2f: {  	lr =	sadd.s32 s0, s3;
	s0 =	sld [smem:$0x3FAB]  }
0x30: {  	s3 =	sld [smem:$0x3FAE]  }
0x31: {  	[smem:$0x3FB7] =	sst s10  }
0x32: {  	s10 =	sld [smem:$0x3FB5];
	_ =	sdelay $0x3  }
0x33: {  	p0 =	seq.s32 s10, $0x1;
	s10 =	sld [smem:$0x3FB7];
	_ =	sdelay $0x3  }
0x34: {  	[smem:$0x3FB7] =	sst s10  }
0x35: {  	s10 =	sld [smem:$0x3FB6];
	_ =	sdelay $0x3  }
0x36: {  	p1 =	seq.s32 s10, $0x1;
	s10 =	sld [smem:$0x3FB7];
	_ =	sdelay $0x3  }
0x37: {  	[smem:$0x3FB7] =	sst s10  }
0x38: {  	s10 =	sld [smem:$0x3FB8]  }
0x39: {  	_ = 	snop;
	(pc) =	sbr.ind lr, $3  }
0x3a: {  	_ = 	snop  }
0x3b: {  	_ = 	snop  }
0x3c: {  	p2 =	seq.s32 s10, $0x1;
	s10 =	sld [smem:$0x3FB7]  }
0x3d: {  	_ =	shalt  }
0x3e: {  	_ =	shalt  }
0x3f: {  	_ =	shalt  }
0x40: {  	_ =	shalt  }
0x41: {  	_ =	shalt  }
0x42: {  	_ =	shalt  }
0x43: {  	_ =	shalt  }
0x44: {  	_ =	shalt  }
0x45: {  	_ =	shalt  }
0x46: {  	_ =	shalt  }
0x47: {  	_ =	shalt  }
0x48: {  	_ =	shalt  }
0x49: {  	_ =	shalt  }
0x4a: {  	_ =	shalt  }
0x4b: {  	_ =	shalt  }
0x4c: {  	_ =	shalt  }
0x4d: {  	_ =	shalt  }
0x4e: {  	_ =	shalt  }
0x4f: {  	_ =	shalt  }
0x50: {  	_ =	shalt  }
0x51: {  	_ =	shalt  }
0x52: {  	_ =	shalt  }
0x53: {  	_ =	shalt  }
0x54: {  	_ =	shalt  }
0x55: {  	_ =	shalt  }
0x56: {  	_ =	shalt  }
0x57: {  	_ =	shalt  }
0x58: {  	_ =	shalt  }
0x59: {  	_ =	shalt  }
0x5a: {  	_ =	shalt  }
0x5b: {  	_ =	shalt  }
0x5c: {  	_ =	shalt  }
0x5d: {  	_ =	shalt  }
0x5e: {  	_ =	shalt  }
0x5f: {  	_ =	shalt  }
0x60: {  	_ =	shalt  }
0x61: {  	_ =	shalt  }
0x62: {  	_ =	shalt  }
0x63: {  	_ =	shalt  }
0x64: {  	_ =	shalt  }
0x65: {  	_ =	shalt  }
0x66: {  	_ =	shalt  }
0x67: {  	_ =	shalt  }
0x68: {  	_ =	shalt  }
0x69: {  	_ =	shalt  }
0x6a: {  	_ =	shalt  }
0x6b: {  	_ =	shalt  }
0x6c: {  	_ =	shalt  }
0x6d: {  	_ =	shalt  }
0x6e: {  	_ =	shalt  }
0x6f: {  	_ =	shalt  }
0x70: {  	_ =	shalt  }
0x71: {  	_ =	shalt  }
0x72: {  	_ =	shalt  }
0x73: {  	_ =	shalt  }
0x74: {  	_ =	shalt  }
0x75: {  	_ =	shalt  }
0x76: {  	_ =	shalt  }
0x77: {  	_ =	shalt  }
0x78: {  	_ =	shalt  }
0x79: {  	_ =	shalt  }
0x7a: {  	_ =	shalt  }
0x7b: {  	_ =	shalt  }
0x7c: {  	_ =	shalt  }
0x7d: {  	_ =	shalt  }
0x7e: {  	_ =	shalt  }
0x7f: {  	_ =	shalt  }
0x80: {  	_ =	shalt  }
0x81: {  	_ =	shalt  }
0x82: {  	_ =	shalt  }
0x83: {  	_ =	shalt  }
0x84: {  	_ =	shalt  }
0x85: {  	_ =	shalt  }
0x86: {  	_ =	shalt  }
0x87: {  	_ =	shalt  }
.Lfunc_end0:
.L_simem_size_0:
called_computation_lowered:
.L_overlay_start_0:
0x88: {  	s2 =	sld [smem:$0x3FD9]  }
0x89: {  	s3 =	sld [smem:$0x3FFE];
	_ =	sdelay $0x1  }
0x8a: {  	s1 =	srdreg.scid  }
0x8b: {  	s0 =	sand.u32 $0x1, s1  }
0x8c: {  	s14 =	sshll.u32 s0, $0xA;
	s2 =	sadd.s32 s3, s2  }
0x8d: {  	s2 =	sadd.s32 s2, s14  }
0x8e: {  	[smem:$0x3FC3] =	sst s2  }
0x8f: {  	_ = 	snop  }
0x90: {  	s2 =	sld [smem:$0x3FD0];
	_ =	sdelay $0x2  }
0x91: {  	s15 =	simm.s32 $0xA;
	s4 =	simm.s32 $0x10  }
0x92: {  	[smem:s4], [sflag:s15] =	dma.local [hbm:s2], $0x1  }
0x93: {  	_ =	swait.eq [sflag:s15], $0x1  }
0x94: {  	[sflag:s15] =	ssyncset.done $0x0  }
0x95: {  	[sflag:s15] =	ssyncadd.s32 $0xFFFFFFFF  }
0x96: {  	s16 =	sld [smem:$0x11];
	(tm) =	ssettm $0x1  }
0x97: {  	s17 =	sld [smem:$0x3FFB];
	_ =	sdelay $0x3  }
0x98: {  	_ =	strace s17  }
0x99: {  	s3 =	sld [smem:$0x3FFC];
	_ =	sdelay $0x3  }
0x9a: {  	_ =	strace s3  }
0x9b: {  	s3 =	sld [smem:$0x3FFD];
	_ =	sdelay $0x3  }
0x9c: {  	_ =	strace s3  }
0x9d: {  	_ =	strace $0x8FFFFFFF  }
0x9e: {  	s18 =	sld [smem:$0x3FDB];
	_ =	sdelay $0x1  }
0x9f: {  	s19 =	simm.s32 $_scs_section_size  }
0xa0: {  	s5 =	simm.s32 $_size__tile_overlayer_lowered;
	s6 =	simm.s32 $_tile_overlayer_lowered  }
0xa1: {  	s22 =	simm.s32 $0x1BFF;
	s21 =	sshll.u32 s6, $0x1;
	s3 =	sadd.s32 s19, s18  }
0xa2: {  	s7 =	simm.s32 $0x0;
	s20 =	sshll.u32 s5, $0x1;
	s5 =	sadd.s32 s21, s3  }
0xa3: {  	[timem:s7], [sflag:s22] =	dma.local [hbm:s5], s20  }
0xa4: {  	_ =	swait.ge [sflag:s22], s20  }
0xa5: {  	s4 =	ssub.s32 $0x0, s20;
	[sflag:s22] =	ssyncset.done $0x0  }
0xa6: {  	[sflag:s22] =	ssyncadd.s32 s4;
	_ =	sdelay $0x1  }
0xa7: {  	s23 =	simm.s32 $0x1B8B  }
0xa8: {  	_ =	swait.ge [sflag:s23], $0x1  }
0xa9: {  	[sflag:s23] =	ssyncset.done $0x0  }
0xaa: {  	s25 =	simm.s32 $0x1B8E;
	s24 =	sld [smem:$0x3FFE];
	[sflag:s23] =	ssyncadd.s32 $0xFFFFFFFF  }
0xab: {  	s26 =	simm.s32 $execute0_lowered;
	[smem:$0x3FD2] =	sst s25  }
0xac: {  	s5 =	sshll.u32 s26, $0x1;
	_ =	strace $0x80000046;
	[dreg:$0x1] =	wrdreg $0xFFFFFFFF  }
0xad: {  	s28 =	simm.s32 $_size_execute0_lowered;
	s3 =	sadd.s32 s3, s5;
	[dreg:$0x0] =	wrdreg $0x0  }
0xae: {  	s5 =	sshll.u32 s28, $0x1;
	[dreg:$0x2] =	wrdreg s3  }
0xaf: {  	[dreg:$0x3] =	wrdreg s5  }
0xb0: {  	[dreg:$0x4] =	wrdreg $0xC0  }
0xb1: {  	_ =	task [dreg:s7], $0x5FFFF  }
0xb2: {  	[dreg:$0x1] =	wrdreg $0xFFFFFFFF  }
0xb3: {  	[dreg:$0x0] =	wrdreg $0x60  }
0xb4: {  	[dreg:$0x2] =	wrdreg s24  }
0xb5: {  	[dreg:$0x3] =	wrdreg s16  }
0xb6: {  	[dreg:$0x4] =	wrdreg $0x9  }
0xb7: {  	_ =	task.clear_ibuf [dreg:s7], $0x5FFFF;
	_ =	strace $0x90000046  }
0xb8: {  	s29 =	simm.s32 $0x9;
	_ =	strace $0x80000048  }
0xb9: {  	_ =	swait.ge [sflag:s29], $0x1  }
0xba: {  	[sflag:s29] =	ssyncadd.s32 $0xFFFFFFFF  }
0xbb: {  	_ =	strace $0x90000048  }
0xbc: {  	_ =	sfence  }
0xbd: {  	s30 =	sld [smem:$0x0];
	_ =	sdelay $0x2  }
0xbe: {  	s31 =	sshll.u32 s1, $0xD;
	s1 =	sshrl.u32 s1, $0x2  }
0xbf: {  	s3 =	sand.u32 $0x4000, s31;
	s1 =	sadd.s32 s1, s30  }
0xc0: {  	s0 =	sor.u32 s3, s0;
	s1 =	sshll.u32 s1, $0x11  }
0xc1: {  	s0 =	sor.u32 s1, s0  }
0xc2: {  	s0 =	sadd.s32 $0x8F2B, s0  }
0xc3: {  	[sflag:s0] =	ssyncadd.remote.s32 $0x1  }
0xc4: {  	_ =	sfence.sel $0xFFFF  }
0xc5: {  	[dreg:$0x0] =	wrdreg $0xFFFFFFFF;
	(pc) =	sbr.abs _section_cstart, $3  }
0xc6: {  	[dreg:$0x1] =	wrdreg $0xFFFFFFFF  }
0xc7: {  	_ =	task.clear_ibuf [dreg:s7], $0x2FFFF;
	_ =	strace $0x9FFFFFFF  }
0xc8: {  	(tm) =	ssettm $0x7FFFFFFF  }
0xc9: {  	_ =	shalt  }
tec
execute0_lowered:
.L_overlay_start_1:
0x0: {  	(tag) =	ssettag $0x1  }
0x1: {  	s1 =	srdreg.scid;
	s3 =	rddreg [dreg:$0x0]  }
0x2: {  	s0 =	stileid.u32;
	s5 =	rddreg [dreg:$0x1];
	s2 =	simm.s32 $0x0  }
0x3: {  	s9 =	simm.s32 $0x1900;
	s10 =	simm.s32 $0x60;
	s11 =	simm.s32 $0x3300  }
0x4: {  	s12 =	simm.s32 $0x4B00;
	s13 =	simm.s32 $0x6500;
	s14 =	simm.s32 $0x1  }
0x5: {  	s15 =	simm.s32 $0x2;
	s16 =	simm.s32 $0x7D00;
	s17 =	simm.s32 $0x0  }
0x6: {  	s4 =	sand.u32 $0x1, s1;
	s31 =	sshll.u32 s0, $0x1;
	s1 =	rddreg [dreg:$0x2]  }
0x7: {  	[smem:$0x7FF] =	sst s2;
	s6 =	sor.u32 s4, s31;
	s4 =	ssub.s32 $0x2, s4  }
0x8: {  	s7 =	smul.u32 $0x320, s6;
	s8 =	sshrl.u32 s4, $0x1;
	s6 =	sshll.u32 s6, $0x8  }
0x9: {  	_ =	strace $0x80000047;
	s8 =	ssub.s32 s4, s8;
	s5 =	sadd.s32 s5, s6  }
0xa: {  	s7 =	sadd.s32 s7, s3;
	s3 =	sadd.s32 $0x6E00, s3;
	s6 =	smax.u32 s8, $0x1  }
0xb: {  	s8 =	simm.s32 $0x68;
	s4 =	sadd.s32 $0xA00, s7;
	s7 =	simm.s32 $0x3  }
.LBB2_1:
0xc: {  	[tilespmem:s2], [sflag:$0x3] =	stream.linear.gather [hbm4b:s4+s2], $0x1900, $0x38;
	[tilespmem:$0x8500] =	vst v63  }
0xd: {  	_ =	swait.ge [sflag:s7], $0x1900  }
0xe: {  	[sflag:s7] =	ssyncset.done $0x0  }
0xf: {  	[sflag:s7] =	ssyncadd.s32 $0xFFFFE700  }
0x10: {  	[tilespmem:s9], [sflag:$0x1] =	stream.indirect.gather [hbm4b:s3+s8], $0x40, s2, s8, $0xb8;
	[tilespmem:$0x8500] =	vst v63  }
0x11: {  	s18 =	simm.s32 $0x0  }
0x12: {  	[tilespmem:s11], [sflag:$0x1] =	stream.indirect.gather [hbm4b:s3+s10], $0x40, s8, s10, $0xb8;
	[tilespmem:$0x8500] =	vst v63  }
.LBB2_2:
0x13: {  	s19 =	sshllo.u32 s18, $0x1  }
0x14: {  	s20 =	smul.u32 $0x320, s19;
	_ =	sdelay $0x1  }
0x15: {  	s20 =	sshra.s32 s20, $0x2  }
0x16: {  	[tilespmem:s12], [sflag:$0x2] =	stream.indirect.gather [hbm4b:s3+s8], $0x40, s20, s8, $0xb8;
	[tilespmem:$0x8500] =	vst v63  }
0x17: {  	s20 =	sadd.s32 $0x68, s20  }
0x18: {  	[tilespmem:s13], [sflag:$0x2] =	stream.indirect.gather [hbm4b:s3+s10], $0x40, s20, s10, $0xb8;
	[tilespmem:$0x8500] =	vst v63  }
0x19: {  	_ =	swait.ge [sflag:s14], $0x1A00  }
0x1a: {  	[sflag:s14] =	ssyncset.done $0x0  }
0x1b: {  	[sflag:s14] =	ssyncadd.s32 $0xFFFFE600  }
0x1c: {  	_ =	swait.ge [sflag:s14], $0x1800  }
0x1d: {  	[sflag:s14] =	ssyncset.done $0x0  }
0x1e: {  	s21 =	simm.s32 $0x0;
	[sflag:s14] =	ssyncadd.s32 $0xFFFFE800  }
0x1f: {  	v1 =	vld [tilespmem:s21+$0x1940]  }
0x20: {  	v0 =	vld [tilespmem:s21+$0x1950]  }
0x21: {  	v2 =	vld [tilespmem:s21+$0x1900]  }
0x22: {  	v4 =	vimm.f32 $0.0e+00;
	v3 =	vld [tilespmem:s21+$0x1910]  }
0x23: {  	s22 =	simm.s32 $0x200;
	v6 =	vimm.f32 $0.0e+00;
	v8 =	vimm.f32 $0.0e+00;
	v7 =	vimm.f32 $0.0e+00;
	s20 =	sshll.u32 s18, $0x1;
	v5 =	vld [tilespmem:s21+$0x1920]  }
.LBB2_3:
0x24: {  	p0 =	sne.s32 s22, $0xC600;
	v9 =	vld [tilespmem:s21+$0x1930];
	v10 =	vmov v1  }
0x25: {  	v11 =	vld [tilespmem:s21+$0x1960];
	v12 =	vmov v0  }
0x26: {  	v13 =	vld [tilespmem:s21+$0x1970];
	s21 =	sshra.s32 s22, $0x2  }
.Ltmp0:
0x27: {  	v1 =	vld [tilespmem:s21+$0x1940];
	(pc) =	sbr.rel @p0 .LBB2_3-.Ltmp0, $4  }
0x28: {  	v4 =	vadd.f32 v2, v4;
	v6 =	vadd.f32 v3, v6;
	v0 =	vld [tilespmem:s21+$0x1950]  }
0x29: {  	v8 =	vadd.f32 v5, v8;
	v2 =	vld [tilespmem:s21+$0x1900];
	v7 =	vadd.f32 v9, v7  }
0x2a: {  	v4 =	vadd.f32 v10, v4;
	v6 =	vadd.f32 v12, v6;
	v3 =	vld [tilespmem:s21+$0x1910]  }
0x2b: {  	s22 =	sadd.s32 $0x200, s22;
	v8 =	vadd.f32 v11, v8;
	v5 =	vld [tilespmem:s21+$0x1920];
	v7 =	vadd.f32 v13, v7  }
0x2c: {  	v9 =	vld [tilespmem:s21+$0x1930]  }
0x2d: {  	v10 =	vld [tilespmem:s21+$0x1960]  }
0x2e: {  	v11 =	vld [tilespmem:s21+$0x1970];
	v2 =	vadd.f32 v2, v4  }
0x2f: {  	v3 =	vadd.f32 v3, v6  }
0x30: {  	v4 =	vadd.f32 v5, v8;
	v1 =	vadd.f32 v1, v2  }
0x31: {  	v2 =	vadd.f32 v9, v7;
	v0 =	vadd.f32 v0, v3  }
0x32: {  	s30 =	sshll.u32 s18, $0x7;
	v3 =	vadd.f32 v10, v4;
	v1 =	vmul.f32 $4.999999890e-03, v1  }
0x33: {  	s20 =	smin.u32 s20, $0x1D;
	s21 =	sand.u32 $0x3FFFFF80, s30;
	v2 =	vadd.f32 v11, v2;
	v0 =	vmul.f32 $4.999999890e-03, v0  }
0x34: {  	s20 =	smul.u32 $0x320, s20;
	[tilespmem:s21+$0x7D00] =	vst v1;
	v1 =	vmul.f32 $4.999999890e-03, v3  }
0x35: {  	[tilespmem:s21+$0x7D10] =	vst v0;
	v0 =	vmul.f32 $4.999999890e-03, v2  }
0x36: {  	s20 =	sshrl.u32 s20, $0x2;
	[tilespmem:s21+$0x7D20] =	vst v1  }
0x37: {  	s31 =	sadd.s32 $0x190, s20;
	[tilespmem:s21+$0x7D30] =	vst v0  }
0x38: {  	[tilespmem:s9], [sflag:$0x1] =	stream.indirect.gather [hbm4b:s3+s8], $0x40, s31, s8, $0xb8;
	[tilespmem:$0x8500] =	vst v63  }
0x39: {  	s20 =	sadd.s32 $0x1F8, s20  }
0x3a: {  	[tilespmem:s11], [sflag:$0x1] =	stream.indirect.gather [hbm4b:s3+s10], $0x40, s20, s10, $0xb8;
	[tilespmem:$0x8500] =	vst v63  }
0x3b: {  	_ =	swait.ge [sflag:s15], $0x1A00  }
0x3c: {  	[sflag:s15] =	ssyncset.done $0x0  }
0x3d: {  	[sflag:s15] =	ssyncadd.s32 $0xFFFFE600  }
0x3e: {  	_ =	swait.ge [sflag:s15], $0x1800  }
0x3f: {  	[sflag:s15] =	ssyncset.done $0x0  }
0x40: {  	s20 =	simm.s32 $0x0;
	[sflag:s15] =	ssyncadd.s32 $0xFFFFE800  }
0x41: {  	v1 =	vld [tilespmem:s20+$0x4B40]  }
0x42: {  	v0 =	vld [tilespmem:s20+$0x4B50]  }
0x43: {  	v2 =	vld [tilespmem:s20+$0x4B00]  }
0x44: {  	v6 =	vimm.f32 $0.0e+00;
	v3 =	vld [tilespmem:s20+$0x4B10]  }
0x45: {  	v5 =	vimm.f32 $0.0e+00;
	v8 =	vimm.f32 $0.0e+00;
	v7 =	vimm.f32 $0.0e+00;
	s21 =	simm.s32 $0x200;
	v4 =	vld [tilespmem:s20+$0x4B20]  }
.LBB2_5:
0x46: {  	p0 =	sne.s32 s21, $0xC600;
	v9 =	vld [tilespmem:s20+$0x4B30];
	v10 =	vmov v1  }
0x47: {  	v11 =	vld [tilespmem:s20+$0x4B60];
	v12 =	vmov v0  }
0x48: {  	v13 =	vld [tilespmem:s20+$0x4B70];
	s20 =	sshra.s32 s21, $0x2  }
.Ltmp1:
0x49: {  	v1 =	vld [tilespmem:s20+$0x4B40];
	(pc) =	sbr.rel @p0 .LBB2_5-.Ltmp1, $4  }
0x4a: {  	v5 =	vadd.f32 v2, v5;
	v6 =	vadd.f32 v3, v6;
	v0 =	vld [tilespmem:s20+$0x4B50]  }
0x4b: {  	v8 =	vadd.f32 v4, v8;
	v2 =	vld [tilespmem:s20+$0x4B00];
	v7 =	vadd.f32 v9, v7  }
0x4c: {  	v5 =	vadd.f32 v10, v5;
	v6 =	vadd.f32 v12, v6;
	v3 =	vld [tilespmem:s20+$0x4B10]  }
0x4d: {  	s21 =	sadd.s32 $0x200, s21;
	v8 =	vadd.f32 v11, v8;
	v4 =	vld [tilespmem:s20+$0x4B20];
	v7 =	vadd.f32 v13, v7  }
0x4e: {  	v9 =	vld [tilespmem:s20+$0x4B30]  }
0x4f: {  	v10 =	vld [tilespmem:s20+$0x4B60]  }
0x50: {  	v11 =	vld [tilespmem:s20+$0x4B70];
	v2 =	vadd.f32 v2, v5  }
0x51: {  	v3 =	vadd.f32 v3, v6  }
0x52: {  	v4 =	vadd.f32 v4, v8;
	v1 =	vadd.f32 v1, v2  }
0x53: {  	s18 =	sadd.s32 $0x1, s18;
	v60 =	vadd.f32 v9, v7;
	v0 =	vadd.f32 v0, v3  }
0x54: {  	s19 =	sshll.u32 s19, $0x6;
	p0 =	sne.s32 s18, $0x10;
	v61 =	vadd.f32 v10, v4;
	v1 =	vmul.f32 $4.999999890e-03, v1  }
.Ltmp2:
0x55: {  	s19 =	sand.u32 $0x3FFFFFC0, s19;
	v2 =	vadd.f32 v11, v60;
	v0 =	vmul.f32 $4.999999890e-03, v0;
	(pc) =	sbr.rel @p0 .LBB2_2-.Ltmp2, $4  }
0x56: {  	[tilespmem:s19+$0x7D00] =	vst v1;
	v62 =	vmul.f32 $4.999999890e-03, v61  }
0x57: {  	[tilespmem:s19+$0x7D10] =	vst v0;
	v63 =	vmul.f32 $4.999999890e-03, v2  }
0x58: {  	[tilespmem:s19+$0x7D20] =	vst v62  }
0x59: {  	[tilespmem:s19+$0x7D30] =	vst v63  }
0x5a: {  	_ =	swait.ge [sflag:s14], $0x1A00  }
0x5b: {  	[sflag:s14] =	ssyncset.done $0x0  }
0x5c: {  	[sflag:s14] =	ssyncadd.s32 $0xFFFFE600  }
0x5d: {  	s17 =	sadd.s32 $0x1, s17;
	_ =	swait.ge [sflag:s14], $0x1800  }
0x5e: {  	p0 =	sne.s32 s17, s6;
	[sflag:s14] =	ssyncset.done $0x0  }
.Ltmp3:
0x5f: {  	[sflag:s14] =	ssyncadd.s32 $0xFFFFE800;
	(pc) =	sbr.rel @p0 .LBB2_1-.Ltmp3, $4  }
0x60: {  	[hbm4b:s5+s2] =	stream.linear.scatter [tilespmem:s16], [sflag:$0x3], $0x800, $0x38;
	[tilespmem:$0x8500] =	vst v63  }
0x61: {  	_ =	swait.ge [sflag:s7], $0x800  }
0x62: {  	[sflag:s7] =	ssyncset.done $0x0  }
0x63: {  	[sflag:s7] =	ssyncadd.s32 $0xFFFFF800  }
0x64: {  	_ =	sfence.sel $0x180000  }
0x65: {  	[bflag:$0x0] =	sbarrier.arrive $0xFFFF  }
0x66: {  	p0 =	sne.s32 s0, $0x0;
	_ =	strace $0x90000047  }
0x67: {  	s0 =	sadd.s32 @!p0 $0x100000, s1;
	[bflag:$0x2] =	sbarrier.arrive $0xFFFF  }
0x68: {  	[sflag:s0] =	ssyncadd.tile.s32 @!p0 $0x1;
	_ =	shalt  }
.Lfunc_end2:
_tile_overlayer_lowered:
.L_overlay_start_2:
0x69: {  	(tag) =	ssettag $0x2  }
0x6a: {  	s0 =	rddreg [dreg:$0x0];
	s2 =	stileid.u32  }
0x6b: {  	s1 =	rddreg [dreg:$0x1];
	p0 =	sne.s32 s2, $0x0  }
0x6c: {  	s3 =	rddreg [dreg:$0x2];
	[bflag:$0x3] =	sbarrier.arrive $0xFFFF;
	s2 =	simm.s32 @!p0 $0x1C03  }
0x6d: {  	[timem:s3], [sflag:s2] =	dma.local @!p0 [hbm:s0], s1  }
0x6e: {  	s0 =	simm.s32 @!p0 $0x3  }
0x6f: {  	_ =	swait.ge @!p0 [sflag:s0], s1  }
0x70: {  	s1 =	ssub.s32 @!p0 $0x0, s1;
	[sflag:s0] =	ssyncset.done @!p0 $0x0  }
0x71: {  	[sflag:s0] =	ssyncadd.s32 @!p0 s1  }
0x72: {  	[bflag:$0x3] =	sbarrier.arrive $0xFFFF  }
0x73: {  	_ =	shalt  }

</sc_bundles>
